<compile_context>
chip_gen: v7x
topology: tpu7x:2x2x1
jax: 0.10.2.dev20260603
libtpu: 0.0.44.dev20260713+nightly
codegen_flags: <defaults>
</compile_context>

<pallas_src>
import jax
import jax.numpy as jnp
from jax import lax
from jax.experimental import pallas as pl
from jax.experimental.pallas import tpu as pltpu
from jax.experimental.pallas import tpu_sc as plsc

BATCH = 16384
NFIELDS = 26
VOCAB = 1000000
NDENSE = 13

NC = 2
NS = 16
L = 16
NW = NC * NS
BPW = BATCH // NW
CHUNKS = BPW // L

FLO = 10
FHI = NFIELDS - FLO
NLO = FLO * BPW
NHI = FHI * BPW

A1_LEN = 9766 * 1024
A2_START = 10_000_000
A2_LEN = NFIELDS * VOCAB - A2_START


def _sc_body_hi(ta_hbm, idx_hbm, dense_hbm, w_hbm, part_hbm,
                idx_v, emb_v, dense_v, w_v, out_v, sem):
    wid = lax.axis_index("s") * NC + lax.axis_index("c")

    pltpu.sync_copy(idx_hbm.at[wid], idx_v)
    pltpu.sync_copy(dense_hbm.at[wid], dense_v)
    pltpu.sync_copy(w_hbm, w_v)

    def add_off_hi(c, _):
        for f in range(FHI):
            off = (FLO + f) * VOCAB - A2_START
            sl = pl.ds(f * BPW + c * L, L)
            idx_v[sl] = idx_v[sl] + off
        return 0

    lax.fori_loop(0, CHUNKS, add_off_hi, 0)

    g = pltpu.async_copy(ta_hbm.at[idx_v], emb_v, sem)

    wsplats = [w_v[j, :] for j in range(NDENSE)]

    def fc_chunk(c, _):
        sl = pl.ds(c * L, L)
        acc = dense_v[0, sl] * wsplats[0]
        for j in range(1, NDENSE):
            acc = acc + dense_v[j, sl] * wsplats[j]
        out_v[sl] = acc
        return 0

    lax.fori_loop(0, CHUNKS, fc_chunk, 0)
    g.wait()

    def red_chunk(c, _):
        sl = pl.ds(c * L, L)
        acc = out_v[sl]
        for f in range(FHI):
            acc = acc + emb_v[pl.ds(f * BPW + c * L, L)]
        out_v[sl] = acc
        return 0

    lax.fori_loop(0, CHUNKS, red_chunk, 0)
    pltpu.sync_copy(out_v, part_hbm.at[pl.ds(wid * BPW, BPW)])


def _sc_body_lo(ta_hbm, idx_hbm, part_hbm, out_hbm,
                idx_v, emb_v, out_v, sem):
    wid = lax.axis_index("s") * NC + lax.axis_index("c")

    pltpu.sync_copy(idx_hbm.at[wid], idx_v)

    def add_off_lo(c, _):
        for f in range(1, FLO):
            off = f * VOCAB
            sl = pl.ds(f * BPW + c * L, L)
            idx_v[sl] = idx_v[sl] + off
        return 0

    lax.fori_loop(0, CHUNKS, add_off_lo, 0)

    g = pltpu.async_copy(ta_hbm.at[idx_v], emb_v, sem)

    pltpu.sync_copy(part_hbm.at[pl.ds(wid * BPW, BPW)], out_v)
    g.wait()

    def red_chunk(c, _):
        sl = pl.ds(c * L, L)
        acc = out_v[sl]
        for f in range(FLO):
            acc = acc + emb_v[pl.ds(f * BPW + c * L, L)]
        out_v[sl] = acc
        return 0

    lax.fori_loop(0, CHUNKS, red_chunk, 0)
    pltpu.sync_copy(out_v, out_hbm.at[pl.ds(wid * BPW, BPW)])


@jax.jit
def _run(table_a1, table_a2, idx_lo, idx_hi, dense_rs, w_rep):
    mesh = plsc.VectorSubcoreMesh(core_axis_name="c", subcore_axis_name="s")
    k_hi = pl.kernel(
        _sc_body_hi,
        out_type=jax.ShapeDtypeStruct((BATCH,), jnp.float32),
        mesh=mesh,
        scratch_types=[
            pltpu.VMEM((NHI,), jnp.int32),
            pltpu.VMEM((NHI,), jnp.float32),
            pltpu.VMEM((NDENSE, BPW), jnp.float32),
            pltpu.VMEM((NDENSE, L), jnp.float32),
            pltpu.VMEM((BPW,), jnp.float32),
            pltpu.SemaphoreType.DMA,
        ],
    )
    k_lo = pl.kernel(
        _sc_body_lo,
        out_type=jax.ShapeDtypeStruct((BATCH,), jnp.float32),
        mesh=mesh,
        scratch_types=[
            pltpu.VMEM((NLO,), jnp.int32),
            pltpu.VMEM((NLO,), jnp.float32),
            pltpu.VMEM((BPW,), jnp.float32),
            pltpu.SemaphoreType.DMA,
        ],
    )
    partial = k_hi(table_a2, idx_hi, dense_rs, w_rep)
    return k_lo(table_a1, idx_lo, partial)


def kernel(indices, dense, emb_table, W):
    i3 = indices.T.reshape(NFIELDS, NW, BPW).transpose(1, 0, 2)
    idx_lo = i3[:, :FLO, :].reshape(NW, NLO)
    idx_hi = i3[:, FLO:, :].reshape(NW, NHI)
    dense_rs = dense.T.reshape(NDENSE, NW, BPW).transpose(1, 0, 2)
    table_a1 = emb_table[:A1_LEN, :].reshape(-1)
    table_a2 = emb_table[A2_START:, :].reshape(-1)
    w_rep = jnp.broadcast_to(W, (NDENSE, L))
    out = _run(table_a1, table_a2, idx_lo, idx_hi, dense_rs, w_rep)
    return out.reshape(-1, 1)

# --- scband reference (transcript-rebuilt; emitter-appended) ---
"""Pipeline reference for scband-linear-80934363726168 (READ-ONLY COPY).

The authoritative reference and input builder live on the scoring server;
editing this copy changes nothing except your own understanding.
"""

import jax, jax.numpy as jnp
import numpy as np

BATCH = 16384
NFIELDS = 26
VOCAB = 1000000
NDENSE = 13

def setup_inputs(seed: int = 0) -> dict:
    key = jax.random.key(seed)
    k1, k2, k3, k4 = jax.random.split(key, 4)
    indices = jax.random.randint(k1, (BATCH, NFIELDS), 0, VOCAB, dtype=jnp.int32)
    dense = jax.random.normal(k2, (BATCH, NDENSE), dtype=jnp.float32)
    # linear-part embedding: one dim-1 embedding table per sparse field,
    # materialized as a single flat table with per-field offsets
    emb_table = jax.random.normal(k3, (NFIELDS * VOCAB, 1), dtype=jnp.float32) * 0.01
    W = jax.random.normal(k4, (NDENSE, 1), dtype=jnp.float32) * 0.1
    return {"indices": indices, "dense": dense, "emb_table": emb_table, "W": W}

def reference(indices, dense, emb_table, W):
    # form_x: gather per-field dim-1 sparse embeddings
    offsets = (jnp.arange(NFIELDS, dtype=indices.dtype) * VOCAB)[None, :]
    flat_idx = (indices + offsets).reshape(-1)
    sparse_x = jnp.take(emb_table, flat_idx, axis=0).reshape(BATCH, NFIELDS)  # [B, 26]
    # fc = self.lr(dense_x): Dense(1, use_bias=False)
    fc = dense @ W  # [B, 1]
    # out = reshape(reduce_sum(sparse_x, axis=-1), [-1, 1]) + fc
    out = jnp.sum(sparse_x, axis=-1, keepdims=True) + fc
    return out

if __name__ == "__main__":
    import jax
    _d = setup_inputs()
    print(jax.jit(kernel)(*tuple(_d.values())))

</pallas_src>

<mosaic_0001>
#map = affine_map<(d0, d1) -> (0)>
#map1 = affine_map<(d0, d1) -> (0, 0)>
#map2 = affine_map<(d0, d1) -> (0, 0, 0)>
module attributes {stable_mosaic.version = 14 : i64} {
  func.func @_sc_body_hi(%arg0: i32, %arg1: i32, %arg2: memref<16000000xf32, #tpu.memory_space<hbm>>, %arg3: memref<32x8192xi32, #tpu.memory_space<hbm>>, %arg4: memref<32x13x512xf32, #tpu.memory_space<hbm>>, %arg5: memref<13x16xf32, #tpu.memory_space<hbm>>, %arg6: memref<16384xf32, #tpu.memory_space<hbm>>, %arg7: memref<8192xi32, #tpu.memory_space<vmem>>, %arg8: memref<8192xf32, #tpu.memory_space<vmem>>, %arg9: memref<13x512xf32, #tpu.memory_space<vmem>>, %arg10: memref<13x16xf32, #tpu.memory_space<vmem>>, %arg11: memref<512xf32, #tpu.memory_space<vmem>>, %arg12: memref<!tpu.dma_semaphore, #tpu.memory_space<semaphore_mem>>) attributes {dimension_semantics = [#tpu.dimension_semantics<core_parallel>, #tpu.dimension_semantics<subcore_parallel>], iteration_bounds = array<i64: 2, 16>, scalar_prefetch = 0 : i64, scratch_operands = 6 : i64, tpu.core_type = #tpu.core_type<sc_vector_subcore>, window_params = [{transform_indices = #map}, {transform_indices = #map1}, {transform_indices = #map2}, {transform_indices = #map1}, {transform_indices = #map}]} {
    %mul3A = arith.constant 2 : i32
    %mul3A_0 = arith.muli %arg1, %mul3A : i32
    %add3A = arith.addi %mul3A_0, %arg0 : i32
    "tpu.region"() ({
      %run_scoped3A = tpu.sem_alloc : memref<!tpu.dma_semaphore, #tpu.memory_space<semaphore_mem>>
      %dma_start3A_89 = arith.constant 0 : i32
      %dma_start3A_90 = tpu.memref_slice %arg3[%add3A, %dma_start3A_89] : memref<32x8192xi32, #tpu.memory_space<hbm>> -> memref<1x8192xi32, #tpu.memory_space<hbm>>
      %dma_start3A_91 = tpu.memref_squeeze %dma_start3A_90 : memref<1x8192xi32, #tpu.memory_space<hbm>> -> memref<8192xi32, #tpu.memory_space<hbm>>
      %dma_start3A_92 = arith.constant 0 : i32
      %dma_start3A_93 = tpu.memref_slice %arg3[%add3A, %dma_start3A_92] : memref<32x8192xi32, #tpu.memory_space<hbm>> -> memref<1x8192xi32, #tpu.memory_space<hbm>>
      %dma_start3A_94 = tpu.memref_squeeze %dma_start3A_93 : memref<1x8192xi32, #tpu.memory_space<hbm>> -> memref<8192xi32, #tpu.memory_space<hbm>>
      tpu.enqueue_dma source(%dma_start3A_94 : memref<8192xi32, #tpu.memory_space<hbm>>) target(%arg7 : memref<8192xi32, #tpu.memory_space<vmem>>) target_semaphore(%run_scoped3A : memref<!tpu.dma_semaphore, #tpu.memory_space<semaphore_mem>>)
      %dma_wait3A_95 = arith.constant 0 : i32
      %dma_wait3A_96 = tpu.memref_slice %arg3[%add3A, %dma_wait3A_95] : memref<32x8192xi32, #tpu.memory_space<hbm>> -> memref<1x8192xi32, #tpu.memory_space<hbm>>
      %dma_wait3A_97 = tpu.memref_squeeze %dma_wait3A_96 : memref<1x8192xi32, #tpu.memory_space<hbm>> -> memref<8192xi32, #tpu.memory_space<hbm>>
      %dma_wait3A_98 = arith.constant 0 : i32
      %dma_wait3A_99 = tpu.memref_slice %arg3[%add3A, %dma_wait3A_98] : memref<32x8192xi32, #tpu.memory_space<hbm>> -> memref<1x8192xi32, #tpu.memory_space<hbm>>
      %dma_wait3A_100 = tpu.memref_squeeze %dma_wait3A_99 : memref<1x8192xi32, #tpu.memory_space<hbm>> -> memref<8192xi32, #tpu.memory_space<hbm>>
      tpu.wait_dma2 semaphore(%run_scoped3A : memref<!tpu.dma_semaphore, #tpu.memory_space<semaphore_mem>>) src(%dma_wait3A_100 : memref<8192xi32, #tpu.memory_space<hbm>>) dst(%arg7 : memref<8192xi32, #tpu.memory_space<vmem>>)
      tpu.yield
    }) : () -> ()
    "tpu.region"() ({
      %run_scoped3A = tpu.sem_alloc : memref<!tpu.dma_semaphore, #tpu.memory_space<semaphore_mem>>
      %dma_start3A_89 = arith.constant 0 : i32
      %dma_start3A_90 = arith.constant 0 : i32
      %dma_start3A_91 = tpu.memref_slice %arg4[%add3A, %dma_start3A_89, %dma_start3A_90] : memref<32x13x512xf32, #tpu.memory_space<hbm>> -> memref<1x13x512xf32, #tpu.memory_space<hbm>>
      %dma_start3A_92 = tpu.memref_squeeze %dma_start3A_91 : memref<1x13x512xf32, #tpu.memory_space<hbm>> -> memref<13x512xf32, #tpu.memory_space<hbm>>
      %dma_start3A_93 = arith.constant 0 : i32
      %dma_start3A_94 = arith.constant 0 : i32
      %dma_start3A_95 = tpu.memref_slice %arg4[%add3A, %dma_start3A_93, %dma_start3A_94] : memref<32x13x512xf32, #tpu.memory_space<hbm>> -> memref<1x13x512xf32, #tpu.memory_space<hbm>>
      %dma_start3A_96 = tpu.memref_squeeze %dma_start3A_95 : memref<1x13x512xf32, #tpu.memory_space<hbm>> -> memref<13x512xf32, #tpu.memory_space<hbm>>
      tpu.enqueue_dma source(%dma_start3A_96 : memref<13x512xf32, #tpu.memory_space<hbm>>) target(%arg9 : memref<13x512xf32, #tpu.memory_space<vmem>>) target_semaphore(%run_scoped3A : memref<!tpu.dma_semaphore, #tpu.memory_space<semaphore_mem>>)
      %dma_wait3A_97 = arith.constant 0 : i32
      %dma_wait3A_98 = arith.constant 0 : i32
      %dma_wait3A_99 = tpu.memref_slice %arg4[%add3A, %dma_wait3A_97, %dma_wait3A_98] : memref<32x13x512xf32, #tpu.memory_space<hbm>> -> memref<1x13x512xf32, #tpu.memory_space<hbm>>
      %dma_wait3A_100 = tpu.memref_squeeze %dma_wait3A_99 : memref<1x13x512xf32, #tpu.memory_space<hbm>> -> memref<13x512xf32, #tpu.memory_space<hbm>>
      %dma_wait3A_101 = arith.constant 0 : i32
      %dma_wait3A_102 = arith.constant 0 : i32
      %dma_wait3A_103 = tpu.memref_slice %arg4[%add3A, %dma_wait3A_101, %dma_wait3A_102] : memref<32x13x512xf32, #tpu.memory_space<hbm>> -> memref<1x13x512xf32, #tpu.memory_space<hbm>>
      %dma_wait3A_104 = tpu.memref_squeeze %dma_wait3A_103 : memref<1x13x512xf32, #tpu.memory_space<hbm>> -> memref<13x512xf32, #tpu.memory_space<hbm>>
      tpu.wait_dma2 semaphore(%run_scoped3A : memref<!tpu.dma_semaphore, #tpu.memory_space<semaphore_mem>>) src(%dma_wait3A_104 : memref<13x512xf32, #tpu.memory_space<hbm>>) dst(%arg9 : memref<13x512xf32, #tpu.memory_space<vmem>>)
      tpu.yield
    }) : () -> ()
    "tpu.region"() ({
      %run_scoped3A = tpu.sem_alloc : memref<!tpu.dma_semaphore, #tpu.memory_space<semaphore_mem>>
      tpu.enqueue_dma source(%arg5 : memref<13x16xf32, #tpu.memory_space<hbm>>) target(%arg10 : memref<13x16xf32, #tpu.memory_space<vmem>>) target_semaphore(%run_scoped3A : memref<!tpu.dma_semaphore, #tpu.memory_space<semaphore_mem>>)
      tpu.wait_dma2 semaphore(%run_scoped3A : memref<!tpu.dma_semaphore, #tpu.memory_space<semaphore_mem>>) src(%arg5 : memref<13x16xf32, #tpu.memory_space<hbm>>) dst(%arg10 : memref<13x16xf32, #tpu.memory_space<vmem>>)
      tpu.yield
    }) : () -> ()
    %scan3A = arith.constant 0 : i32
    %scan3A_1 = arith.constant 0 : i32
    %scan3A_2 = arith.constant 32 : i32
    %scan3A_3 = arith.addi %scan3A_1, %scan3A_2 : i32
    %scan3A_4 = arith.constant 1 : i32
    %scan3A_5 = scf.for %scan3A_89 = %scan3A_1 to %scan3A_3 step %scan3A_4 iter_args(%scan3A_90 = %scan3A) -> (i32)  : i32 {
      %mul3A_91 = arith.constant 16 : i32
      %mul3A_92 = arith.muli %scan3A_89, %mul3A_91 : i32
      %add3A_93 = arith.constant 0 : i32
      %add3A_94 = arith.addi %add3A_93, %mul3A_92 : i32
      %get3A_95 = arith.index_cast %add3A_94 : i32 to index
      %get3A_96 = tpu.vector_load %arg7[%get3A_95] {strides = array<i32>} : memref<8192xi32, #tpu.memory_space<vmem>>, vector<16xi32>,
      %get3A_97 = vector.shape_cast %get3A_96 : vector<16xi32> to vector<16xi32>
      %add3A_98 = arith.constant 0 : i32
      %add3A_99 = vector.broadcast %add3A_98 : i32 to vector<16xi32>
      %add3A_100 = arith.addi %get3A_97, %add3A_99 : vector<16xi32>
      %swap3A = arith.index_cast %add3A_94 : i32 to index
      %swap3A_101 = tpu.vector_load %arg7[%swap3A] {strides = array<i32>} : memref<8192xi32, #tpu.memory_space<vmem>>, vector<16xi32>,
      %swap3A_102 = vector.shape_cast %swap3A_101 : vector<16xi32> to vector<16xi32>
      %swap3A_103 = vector.shape_cast %add3A_100 : vector<16xi32> to vector<16xi32>
      tpu.vector_store %arg7[%swap3A], %swap3A_103 {strides = array<i32>} : memref<8192xi32, #tpu.memory_space<vmem>>, vector<16xi32>,
      %mul3A_104 = arith.constant 16 : i32
      %mul3A_105 = arith.muli %scan3A_89, %mul3A_104 : i32
      %add3A_106 = arith.constant 512 : i32
      %add3A_107 = arith.addi %add3A_106, %mul3A_105 : i32
      %get3A_108 = arith.index_cast %add3A_107 : i32 to index
      %get3A_109 = tpu.vector_load %arg7[%get3A_108] {strides = array<i32>} : memref<8192xi32, #tpu.memory_space<vmem>>, vector<16xi32>,
      %get3A_110 = vector.shape_cast %get3A_109 : vector<16xi32> to vector<16xi32>
      %add3A_111 = arith.constant 1000000 : i32
      %add3A_112 = vector.broadcast %add3A_111 : i32 to vector<16xi32>
      %add3A_113 = arith.addi %get3A_110, %add3A_112 : vector<16xi32>
      %swap3A_114 = arith.index_cast %add3A_107 : i32 to index
      %swap3A_115 = tpu.vector_load %arg7[%swap3A_114] {strides = array<i32>} : memref<8192xi32, #tpu.memory_space<vmem>>, vector<16xi32>,
      %swap3A_116 = vector.shape_cast %swap3A_115 : vector<16xi32> to vector<16xi32>
      %swap3A_117 = vector.shape_cast %add3A_113 : vector<16xi32> to vector<16xi32>
      tpu.vector_store %arg7[%swap3A_114], %swap3A_117 {strides = array<i32>} : memref<8192xi32, #tpu.memory_space<vmem>>, vector<16xi32>,
      %mul3A_118 = arith.constant 16 : i32
      %mul3A_119 = arith.muli %scan3A_89, %mul3A_118 : i32
      %add3A_120 = arith.constant 1024 : i32
      %add3A_121 = arith.addi %add3A_120, %mul3A_119 : i32
      %get3A_122 = arith.index_cast %add3A_121 : i32 to index
      %get3A_123 = tpu.vector_load %arg7[%get3A_122] {strides = array<i32>} : memref<8192xi32, #tpu.memory_space<vmem>>, vector<16xi32>,
      %get3A_124 = vector.shape_cast %get3A_123 : vector<16xi32> to vector<16xi32>
      %add3A_125 = arith.constant 2000000 : i32
      %add3A_126 = vector.broadcast %add3A_125 : i32 to vector<16xi32>
      %add3A_127 = arith.addi %get3A_124, %add3A_126 : vector<16xi32>
      %swap3A_128 = arith.index_cast %add3A_121 : i32 to index
      %swap3A_129 = tpu.vector_load %arg7[%swap3A_128] {strides = array<i32>} : memref<8192xi32, #tpu.memory_space<vmem>>, vector<16xi32>,
      %swap3A_130 = vector.shape_cast %swap3A_129 : vector<16xi32> to vector<16xi32>
      %swap3A_131 = vector.shape_cast %add3A_127 : vector<16xi32> to vector<16xi32>
      tpu.vector_store %arg7[%swap3A_128], %swap3A_131 {strides = array<i32>} : memref<8192xi32, #tpu.memory_space<vmem>>, vector<16xi32>,
      %mul3A_132 = arith.constant 16 : i32
      %mul3A_133 = arith.muli %scan3A_89, %mul3A_132 : i32
      %add3A_134 = arith.constant 1536 : i32
      %add3A_135 = arith.addi %add3A_134, %mul3A_133 : i32
      %get3A_136 = arith.index_cast %add3A_135 : i32 to index
      %get3A_137 = tpu.vector_load %arg7[%get3A_136] {strides = array<i32>} : memref<8192xi32, #tpu.memory_space<vmem>>, vector<16xi32>,
      %get3A_138 = vector.shape_cast %get3A_137 : vector<16xi32> to vector<16xi32>
      %add3A_139 = arith.constant 3000000 : i32
      %add3A_140 = vector.broadcast %add3A_139 : i32 to vector<16xi32>
      %add3A_141 = arith.addi %get3A_138, %add3A_140 : vector<16xi32>
      %swap3A_142 = arith.index_cast %add3A_135 : i32 to index
      %swap3A_143 = tpu.vector_load %arg7[%swap3A_142] {strides = array<i32>} : memref<8192xi32, #tpu.memory_space<vmem>>, vector<16xi32>,
      %swap3A_144 = vector.shape_cast %swap3A_143 : vector<16xi32> to vector<16xi32>
      %swap3A_145 = vector.shape_cast %add3A_141 : vector<16xi32> to vector<16xi32>
      tpu.vector_store %arg7[%swap3A_142], %swap3A_145 {strides = array<i32>} : memref<8192xi32, #tpu.memory_space<vmem>>, vector<16xi32>,
      %mul3A_146 = arith.constant 16 : i32
      %mul3A_147 = arith.muli %scan3A_89, %mul3A_146 : i32
      %add3A_148 = arith.constant 2048 : i32
      %add3A_149 = arith.addi %add3A_148, %mul3A_147 : i32
      %get3A_150 = arith.index_cast %add3A_149 : i32 to index
      %get3A_151 = tpu.vector_load %arg7[%get3A_150] {strides = array<i32>} : memref<8192xi32, #tpu.memory_space<vmem>>, vector<16xi32>,
      %get3A_152 = vector.shape_cast %get3A_151 : vector<16xi32> to vector<16xi32>
      %add3A_153 = arith.constant 4000000 : i32
      %add3A_154 = vector.broadcast %add3A_153 : i32 to vector<16xi32>
      %add3A_155 = arith.addi %get3A_152, %add3A_154 : vector<16xi32>
      %swap3A_156 = arith.index_cast %add3A_149 : i32 to index
      %swap3A_157 = tpu.vector_load %arg7[%swap3A_156] {strides = array<i32>} : memref<8192xi32, #tpu.memory_space<vmem>>, vector<16xi32>,
      %swap3A_158 = vector.shape_cast %swap3A_157 : vector<16xi32> to vector<16xi32>
      %swap3A_159 = vector.shape_cast %add3A_155 : vector<16xi32> to vector<16xi32>
      tpu.vector_store %arg7[%swap3A_156], %swap3A_159 {strides = array<i32>} : memref<8192xi32, #tpu.memory_space<vmem>>, vector<16xi32>,
      %mul3A_160 = arith.constant 16 : i32
      %mul3A_161 = arith.muli %scan3A_89, %mul3A_160 : i32
      %add3A_162 = arith.constant 2560 : i32
      %add3A_163 = arith.addi %add3A_162, %mul3A_161 : i32
      %get3A_164 = arith.index_cast %add3A_163 : i32 to index
      %get3A_165 = tpu.vector_load %arg7[%get3A_164] {strides = array<i32>} : memref<8192xi32, #tpu.memory_space<vmem>>, vector<16xi32>,
      %get3A_166 = vector.shape_cast %get3A_165 : vector<16xi32> to vector<16xi32>
      %add3A_167 = arith.constant 5000000 : i32
      %add3A_168 = vector.broadcast %add3A_167 : i32 to vector<16xi32>
      %add3A_169 = arith.addi %get3A_166, %add3A_168 : vector<16xi32>
      %swap3A_170 = arith.index_cast %add3A_163 : i32 to index
      %swap3A_171 = tpu.vector_load %arg7[%swap3A_170] {strides = array<i32>} : memref<8192xi32, #tpu.memory_space<vmem>>, vector<16xi32>,
      %swap3A_172 = vector.shape_cast %swap3A_171 : vector<16xi32> to vector<16xi32>
      %swap3A_173 = vector.shape_cast %add3A_169 : vector<16xi32> to vector<16xi32>
      tpu.vector_store %arg7[%swap3A_170], %swap3A_173 {strides = array<i32>} : memref<8192xi32, #tpu.memory_space<vmem>>, vector<16xi32>,
      %mul3A_174 = arith.constant 16 : i32
      %mul3A_175 = arith.muli %scan3A_89, %mul3A_174 : i32
      %add3A_176 = arith.constant 3072 : i32
      %add3A_177 = arith.addi %add3A_176, %mul3A_175 : i32
      %get3A_178 = arith.index_cast %add3A_177 : i32 to index
      %get3A_179 = tpu.vector_load %arg7[%get3A_178] {strides = array<i32>} : memref<8192xi32, #tpu.memory_space<vmem>>, vector<16xi32>,
      %get3A_180 = vector.shape_cast %get3A_179 : vector<16xi32> to vector<16xi32>
      %add3A_181 = arith.constant 6000000 : i32
      %add3A_182 = vector.broadcast %add3A_181 : i32 to vector<16xi32>
      %add3A_183 = arith.addi %get3A_180, %add3A_182 : vector<16xi32>
      %swap3A_184 = arith.index_cast %add3A_177 : i32 to index
      %swap3A_185 = tpu.vector_load %arg7[%swap3A_184] {strides = array<i32>} : memref<8192xi32, #tpu.memory_space<vmem>>, vector<16xi32>,
      %swap3A_186 = vector.shape_cast %swap3A_185 : vector<16xi32> to vector<16xi32>
      %swap3A_187 = vector.shape_cast %add3A_183 : vector<16xi32> to vector<16xi32>
      tpu.vector_store %arg7[%swap3A_184], %swap3A_187 {strides = array<i32>} : memref<8192xi32, #tpu.memory_space<vmem>>, vector<16xi32>,
      %mul3A_188 = arith.constant 16 : i32
      %mul3A_189 = arith.muli %scan3A_89, %mul3A_188 : i32
      %add3A_190 = arith.constant 3584 : i32
      %add3A_191 = arith.addi %add3A_190, %mul3A_189 : i32
      %get3A_192 = arith.index_cast %add3A_191 : i32 to index
      %get3A_193 = tpu.vector_load %arg7[%get3A_192] {strides = array<i32>} : memref<8192xi32, #tpu.memory_space<vmem>>, vector<16xi32>,
      %get3A_194 = vector.shape_cast %get3A_193 : vector<16xi32> to vector<16xi32>
      %add3A_195 = arith.constant 7000000 : i32
      %add3A_196 = vector.broadcast %add3A_195 : i32 to vector<16xi32>
      %add3A_197 = arith.addi %get3A_194, %add3A_196 : vector<16xi32>
      %swap3A_198 = arith.index_cast %add3A_191 : i32 to index
      %swap3A_199 = tpu.vector_load %arg7[%swap3A_198] {strides = array<i32>} : memref<8192xi32, #tpu.memory_space<vmem>>, vector<16xi32>,
      %swap3A_200 = vector.shape_cast %swap3A_199 : vector<16xi32> to vector<16xi32>
      %swap3A_201 = vector.shape_cast %add3A_197 : vector<16xi32> to vector<16xi32>
      tpu.vector_store %arg7[%swap3A_198], %swap3A_201 {strides = array<i32>} : memref<8192xi32, #tpu.memory_space<vmem>>, vector<16xi32>,
      %mul3A_202 = arith.constant 16 : i32
      %mul3A_203 = arith.muli %scan3A_89, %mul3A_202 : i32
      %add3A_204 = arith.constant 4096 : i32
      %add3A_205 = arith.addi %add3A_204, %mul3A_203 : i32
      %get3A_206 = arith.index_cast %add3A_205 : i32 to index
      %get3A_207 = tpu.vector_load %arg7[%get3A_206] {strides = array<i32>} : memref<8192xi32, #tpu.memory_space<vmem>>, vector<16xi32>,
      %get3A_208 = vector.shape_cast %get3A_207 : vector<16xi32> to vector<16xi32>
      %add3A_209 = arith.constant 8000000 : i32
      %add3A_210 = vector.broadcast %add3A_209 : i32 to vector<16xi32>
      %add3A_211 = arith.addi %get3A_208, %add3A_210 : vector<16xi32>
      %swap3A_212 = arith.index_cast %add3A_205 : i32 to index
      %swap3A_213 = tpu.vector_load %arg7[%swap3A_212] {strides = array<i32>} : memref<8192xi32, #tpu.memory_space<vmem>>, vector<16xi32>,
      %swap3A_214 = vector.shape_cast %swap3A_213 : vector<16xi32> to vector<16xi32>
      %swap3A_215 = vector.shape_cast %add3A_211 : vector<16xi32> to vector<16xi32>
      tpu.vector_store %arg7[%swap3A_212], %swap3A_215 {strides = array<i32>} : memref<8192xi32, #tpu.memory_space<vmem>>, vector<16xi32>,
      %mul3A_216 = arith.constant 16 : i32
      %mul3A_217 = arith.muli %scan3A_89, %mul3A_216 : i32
      %add3A_218 = arith.constant 4608 : i32
      %add3A_219 = arith.addi %add3A_218, %mul3A_217 : i32
      %get3A_220 = arith.index_cast %add3A_219 : i32 to index
      %get3A_221 = tpu.vector_load %arg7[%get3A_220] {strides = array<i32>} : memref<8192xi32, #tpu.memory_space<vmem>>, vector<16xi32>,
      %get3A_222 = vector.shape_cast %get3A_221 : vector<16xi32> to vector<16xi32>
      %add3A_223 = arith.constant 9000000 : i32
      %add3A_224 = vector.broadcast %add3A_223 : i32 to vector<16xi32>
      %add3A_225 = arith.addi %get3A_222, %add3A_224 : vector<16xi32>
      %swap3A_226 = arith.index_cast %add3A_219 : i32 to index
      %swap3A_227 = tpu.vector_load %arg7[%swap3A_226] {strides = array<i32>} : memref<8192xi32, #tpu.memory_space<vmem>>, vector<16xi32>,
      %swap3A_228 = vector.shape_cast %swap3A_227 : vector<16xi32> to vector<16xi32>
      %swap3A_229 = vector.shape_cast %add3A_225 : vector<16xi32> to vector<16xi32>
      tpu.vector_store %arg7[%swap3A_226], %swap3A_229 {strides = array<i32>} : memref<8192xi32, #tpu.memory_space<vmem>>, vector<16xi32>,
      %mul3A_230 = arith.constant 16 : i32
      %mul3A_231 = arith.muli %scan3A_89, %mul3A_230 : i32
      %add3A_232 = arith.constant 5120 : i32
      %add3A_233 = arith.addi %add3A_232, %mul3A_231 : i32
      %get3A_234 = arith.index_cast %add3A_233 : i32 to index
      %get3A_235 = tpu.vector_load %arg7[%get3A_234] {strides = array<i32>} : memref<8192xi32, #tpu.memory_space<vmem>>, vector<16xi32>,
      %get3A_236 = vector.shape_cast %get3A_235 : vector<16xi32> to vector<16xi32>
      %add3A_237 = arith.constant 10000000 : i32
      %add3A_238 = vector.broadcast %add3A_237 : i32 to vector<16xi32>
      %add3A_239 = arith.addi %get3A_236, %add3A_238 : vector<16xi32>
      %swap3A_240 = arith.index_cast %add3A_233 : i32 to index
      %swap3A_241 = tpu.vector_load %arg7[%swap3A_240] {strides = array<i32>} : memref<8192xi32, #tpu.memory_space<vmem>>, vector<16xi32>,
      %swap3A_242 = vector.shape_cast %swap3A_241 : vector<16xi32> to vector<16xi32>
      %swap3A_243 = vector.shape_cast %add3A_239 : vector<16xi32> to vector<16xi32>
      tpu.vector_store %arg7[%swap3A_240], %swap3A_243 {strides = array<i32>} : memref<8192xi32, #tpu.memory_space<vmem>>, vector<16xi32>,
      %mul3A_244 = arith.constant 16 : i32
      %mul3A_245 = arith.muli %scan3A_89, %mul3A_244 : i32
      %add3A_246 = arith.constant 5632 : i32
      %add3A_247 = arith.addi %add3A_246, %mul3A_245 : i32
      %get3A_248 = arith.index_cast %add3A_247 : i32 to index
      %get3A_249 = tpu.vector_load %arg7[%get3A_248] {strides = array<i32>} : memref<8192xi32, #tpu.memory_space<vmem>>, vector<16xi32>,
      %get3A_250 = vector.shape_cast %get3A_249 : vector<16xi32> to vector<16xi32>
      %add3A_251 = arith.constant 11000000 : i32
      %add3A_252 = vector.broadcast %add3A_251 : i32 to vector<16xi32>
      %add3A_253 = arith.addi %get3A_250, %add3A_252 : vector<16xi32>
      %swap3A_254 = arith.index_cast %add3A_247 : i32 to index
      %swap3A_255 = tpu.vector_load %arg7[%swap3A_254] {strides = array<i32>} : memref<8192xi32, #tpu.memory_space<vmem>>, vector<16xi32>,
      %swap3A_256 = vector.shape_cast %swap3A_255 : vector<16xi32> to vector<16xi32>
      %swap3A_257 = vector.shape_cast %add3A_253 : vector<16xi32> to vector<16xi32>
      tpu.vector_store %arg7[%swap3A_254], %swap3A_257 {strides = array<i32>} : memref<8192xi32, #tpu.memory_space<vmem>>, vector<16xi32>,
      %mul3A_258 = arith.constant 16 : i32
      %mul3A_259 = arith.muli %scan3A_89, %mul3A_258 : i32
      %add3A_260 = arith.constant 6144 : i32
      %add3A_261 = arith.addi %add3A_260, %mul3A_259 : i32
      %get3A_262 = arith.index_cast %add3A_261 : i32 to index
      %get3A_263 = tpu.vector_load %arg7[%get3A_262] {strides = array<i32>} : memref<8192xi32, #tpu.memory_space<vmem>>, vector<16xi32>,
      %get3A_264 = vector.shape_cast %get3A_263 : vector<16xi32> to vector<16xi32>
      %add3A_265 = arith.constant 12000000 : i32
      %add3A_266 = vector.broadcast %add3A_265 : i32 to vector<16xi32>
      %add3A_267 = arith.addi %get3A_264, %add3A_266 : vector<16xi32>
      %swap3A_268 = arith.index_cast %add3A_261 : i32 to index
      %swap3A_269 = tpu.vector_load %arg7[%swap3A_268] {strides = array<i32>} : memref<8192xi32, #tpu.memory_space<vmem>>, vector<16xi32>,
      %swap3A_270 = vector.shape_cast %swap3A_269 : vector<16xi32> to vector<16xi32>
      %swap3A_271 = vector.shape_cast %add3A_267 : vector<16xi32> to vector<16xi32>
      tpu.vector_store %arg7[%swap3A_268], %swap3A_271 {strides = array<i32>} : memref<8192xi32, #tpu.memory_space<vmem>>, vector<16xi32>,
      %mul3A_272 = arith.constant 16 : i32
      %mul3A_273 = arith.muli %scan3A_89, %mul3A_272 : i32
      %add3A_274 = arith.constant 6656 : i32
      %add3A_275 = arith.addi %add3A_274, %mul3A_273 : i32
      %get3A_276 = arith.index_cast %add3A_275 : i32 to index
      %get3A_277 = tpu.vector_load %arg7[%get3A_276] {strides = array<i32>} : memref<8192xi32, #tpu.memory_space<vmem>>, vector<16xi32>,
      %get3A_278 = vector.shape_cast %get3A_277 : vector<16xi32> to vector<16xi32>
      %add3A_279 = arith.constant 13000000 : i32
      %add3A_280 = vector.broadcast %add3A_279 : i32 to vector<16xi32>
      %add3A_281 = arith.addi %get3A_278, %add3A_280 : vector<16xi32>
      %swap3A_282 = arith.index_cast %add3A_275 : i32 to index
      %swap3A_283 = tpu.vector_load %arg7[%swap3A_282] {strides = array<i32>} : memref<8192xi32, #tpu.memory_space<vmem>>, vector<16xi32>,
      %swap3A_284 = vector.shape_cast %swap3A_283 : vector<16xi32> to vector<16xi32>
      %swap3A_285 = vector.shape_cast %add3A_281 : vector<16xi32> to vector<16xi32>
      tpu.vector_store %arg7[%swap3A_282], %swap3A_285 {strides = array<i32>} : memref<8192xi32, #tpu.memory_space<vmem>>, vector<16xi32>,
      %mul3A_286 = arith.constant 16 : i32
      %mul3A_287 = arith.muli %scan3A_89, %mul3A_286 : i32
      %add3A_288 = arith.constant 7168 : i32
      %add3A_289 = arith.addi %add3A_288, %mul3A_287 : i32
      %get3A_290 = arith.index_cast %add3A_289 : i32 to index
      %get3A_291 = tpu.vector_load %arg7[%get3A_290] {strides = array<i32>} : memref<8192xi32, #tpu.memory_space<vmem>>, vector<16xi32>,
      %get3A_292 = vector.shape_cast %get3A_291 : vector<16xi32> to vector<16xi32>
      %add3A_293 = arith.constant 14000000 : i32
      %add3A_294 = vector.broadcast %add3A_293 : i32 to vector<16xi32>
      %add3A_295 = arith.addi %get3A_292, %add3A_294 : vector<16xi32>
      %swap3A_296 = arith.index_cast %add3A_289 : i32 to index
      %swap3A_297 = tpu.vector_load %arg7[%swap3A_296] {strides = array<i32>} : memref<8192xi32, #tpu.memory_space<vmem>>, vector<16xi32>,
      %swap3A_298 = vector.shape_cast %swap3A_297 : vector<16xi32> to vector<16xi32>
      %swap3A_299 = vector.shape_cast %add3A_295 : vector<16xi32> to vector<16xi32>
      tpu.vector_store %arg7[%swap3A_296], %swap3A_299 {strides = array<i32>} : memref<8192xi32, #tpu.memory_space<vmem>>, vector<16xi32>,
      %mul3A_300 = arith.constant 16 : i32
      %mul3A_301 = arith.muli %scan3A_89, %mul3A_300 : i32
      %add3A_302 = arith.constant 7680 : i32
      %add3A_303 = arith.addi %add3A_302, %mul3A_301 : i32
      %get3A_304 = arith.index_cast %add3A_303 : i32 to index
      %get3A_305 = tpu.vector_load %arg7[%get3A_304] {strides = array<i32>} : memref<8192xi32, #tpu.memory_space<vmem>>, vector<16xi32>,
      %get3A_306 = vector.shape_cast %get3A_305 : vector<16xi32> to vector<16xi32>
      %add3A_307 = arith.constant 15000000 : i32
      %add3A_308 = vector.broadcast %add3A_307 : i32 to vector<16xi32>
      %add3A_309 = arith.addi %get3A_306, %add3A_308 : vector<16xi32>
      %swap3A_310 = arith.index_cast %add3A_303 : i32 to index
      %swap3A_311 = tpu.vector_load %arg7[%swap3A_310] {strides = array<i32>} : memref<8192xi32, #tpu.memory_space<vmem>>, vector<16xi32>,
      %swap3A_312 = vector.shape_cast %swap3A_311 : vector<16xi32> to vector<16xi32>
      %swap3A_313 = vector.shape_cast %add3A_309 : vector<16xi32> to vector<16xi32>
      tpu.vector_store %arg7[%swap3A_310], %swap3A_313 {strides = array<i32>} : memref<8192xi32, #tpu.memory_space<vmem>>, vector<16xi32>,
      %scan3A_314 = arith.constant 0 : i32
      scf.yield %scan3A_314 : i32
    }
    %scan3A_6 = arith.constant 32 : i32
    %dma_start3A = arith.constant 0 : i32
    %dma_start3A_7 = tpu.memref_slice %arg2[%dma_start3A] : memref<16000000xf32, #tpu.memory_space<hbm>> -> memref<16000000xf32, #tpu.memory_space<hbm>>
    tpu.enqueue_indirect_dma source(%dma_start3A_7 : memref<16000000xf32, #tpu.memory_space<hbm>>) target(%arg8 : memref<8192xf32, #tpu.memory_space<vmem>>) offsets(%arg7 : memref<8192xi32, #tpu.memory_space<vmem>>) semaphore(%arg12 : memref<!tpu.dma_semaphore, #tpu.memory_space<semaphore_mem>>)
    %get3A = arith.constant 0 : i32
    %get3A_8 = arith.index_cast %get3A : i32 to index
    %get3A_9 = arith.constant 0 : index
    %get3A_10 = tpu.vector_load %arg10[%get3A_8, %get3A_9] {strides = array<i32>} : memref<13x16xf32, #tpu.memory_space<vmem>>, vector<1x16xf32>,
    %get3A_11 = vector.shape_cast %get3A_10 : vector<1x16xf32> to vector<16xf32>
    %get3A_12 = arith.constant 1 : i32
    %get3A_13 = arith.index_cast %get3A_12 : i32 to index
    %get3A_14 = arith.constant 0 : index
    %get3A_15 = tpu.vector_load %arg10[%get3A_13, %get3A_14] {strides = array<i32>} : memref<13x16xf32, #tpu.memory_space<vmem>>, vector<1x16xf32>,
    %get3A_16 = vector.shape_cast %get3A_15 : vector<1x16xf32> to vector<16xf32>
    %get3A_17 = arith.constant 2 : i32
    %get3A_18 = arith.index_cast %get3A_17 : i32 to index
    %get3A_19 = arith.constant 0 : index
    %get3A_20 = tpu.vector_load %arg10[%get3A_18, %get3A_19] {strides = array<i32>} : memref<13x16xf32, #tpu.memory_space<vmem>>, vector<1x16xf32>,
    %get3A_21 = vector.shape_cast %get3A_20 : vector<1x16xf32> to vector<16xf32>
    %get3A_22 = arith.constant 3 : i32
    %get3A_23 = arith.index_cast %get3A_22 : i32 to index
    %get3A_24 = arith.constant 0 : index
    %get3A_25 = tpu.vector_load %arg10[%get3A_23, %get3A_24] {strides = array<i32>} : memref<13x16xf32, #tpu.memory_space<vmem>>, vector<1x16xf32>,
    %get3A_26 = vector.shape_cast %get3A_25 : vector<1x16xf32> to vector<16xf32>
    %get3A_27 = arith.constant 4 : i32
    %get3A_28 = arith.index_cast %get3A_27 : i32 to index
    %get3A_29 = arith.constant 0 : index
    %get3A_30 = tpu.vector_load %arg10[%get3A_28, %get3A_29] {strides = array<i32>} : memref<13x16xf32, #tpu.memory_space<vmem>>, vector<1x16xf32>,
    %get3A_31 = vector.shape_cast %get3A_30 : vector<1x16xf32> to vector<16xf32>
    %get3A_32 = arith.constant 5 : i32
    %get3A_33 = arith.index_cast %get3A_32 : i32 to index
    %get3A_34 = arith.constant 0 : index
    %get3A_35 = tpu.vector_load %arg10[%get3A_33, %get3A_34] {strides = array<i32>} : memref<13x16xf32, #tpu.memory_space<vmem>>, vector<1x16xf32>,
    %get3A_36 = vector.shape_cast %get3A_35 : vector<1x16xf32> to vector<16xf32>
    %get3A_37 = arith.constant 6 : i32
    %get3A_38 = arith.index_cast %get3A_37 : i32 to index
    %get3A_39 = arith.constant 0 : index
    %get3A_40 = tpu.vector_load %arg10[%get3A_38, %get3A_39] {strides = array<i32>} : memref<13x16xf32, #tpu.memory_space<vmem>>, vector<1x16xf32>,
    %get3A_41 = vector.shape_cast %get3A_40 : vector<1x16xf32> to vector<16xf32>
    %get3A_42 = arith.constant 7 : i32
    %get3A_43 = arith.index_cast %get3A_42 : i32 to index
    %get3A_44 = arith.constant 0 : index
    %get3A_45 = tpu.vector_load %arg10[%get3A_43, %get3A_44] {strides = array<i32>} : memref<13x16xf32, #tpu.memory_space<vmem>>, vector<1x16xf32>,
    %get3A_46 = vector.shape_cast %get3A_45 : vector<1x16xf32> to vector<16xf32>
    %get3A_47 = arith.constant 8 : i32
    %get3A_48 = arith.index_cast %get3A_47 : i32 to index
    %get3A_49 = arith.constant 0 : index
    %get3A_50 = tpu.vector_load %arg10[%get3A_48, %get3A_49] {strides = array<i32>} : memref<13x16xf32, #tpu.memory_space<vmem>>, vector<1x16xf32>,
    %get3A_51 = vector.shape_cast %get3A_50 : vector<1x16xf32> to vector<16xf32>
    %get3A_52 = arith.constant 9 : i32
    %get3A_53 = arith.index_cast %get3A_52 : i32 to index
    %get3A_54 = arith.constant 0 : index
    %get3A_55 = tpu.vector_load %arg10[%get3A_53, %get3A_54] {strides = array<i32>} : memref<13x16xf32, #tpu.memory_space<vmem>>, vector<1x16xf32>,
    %get3A_56 = vector.shape_cast %get3A_55 : vector<1x16xf32> to vector<16xf32>
    %get3A_57 = arith.constant 10 : i32
    %get3A_58 = arith.index_cast %get3A_57 : i32 to index
    %get3A_59 = arith.constant 0 : index
    %get3A_60 = tpu.vector_load %arg10[%get3A_58, %get3A_59] {strides = array<i32>} : memref<13x16xf32, #tpu.memory_space<vmem>>, vector<1x16xf32>,
    %get3A_61 = vector.shape_cast %get3A_60 : vector<1x16xf32> to vector<16xf32>
    %get3A_62 = arith.constant 11 : i32
    %get3A_63 = arith.index_cast %get3A_62 : i32 to index
    %get3A_64 = arith.constant 0 : index
    %get3A_65 = tpu.vector_load %arg10[%get3A_63, %get3A_64] {strides = array<i32>} : memref<13x16xf32, #tpu.memory_space<vmem>>, vector<1x16xf32>,
    %get3A_66 = vector.shape_cast %get3A_65 : vector<1x16xf32> to vector<16xf32>
    %get3A_67 = arith.constant 12 : i32
    %get3A_68 = arith.index_cast %get3A_67 : i32 to index
    %get3A_69 = arith.constant 0 : index
    %get3A_70 = tpu.vector_load %arg10[%get3A_68, %get3A_69] {strides = array<i32>} : memref<13x16xf32, #tpu.memory_space<vmem>>, vector<1x16xf32>,
    %get3A_71 = vector.shape_cast %get3A_70 : vector<1x16xf32> to vector<16xf32>
    %scan3A_72 = arith.constant 0 : i32
    %scan3A_73 = arith.constant 0 : i32
    %scan3A_74 = arith.constant 32 : i32
    %scan3A_75 = arith.addi %scan3A_73, %scan3A_74 : i32
    %scan3A_76 = arith.constant 1 : i32
    %scan3A_77 = scf.for %scan3A_89 = %scan3A_73 to %scan3A_75 step %scan3A_76 iter_args(%scan3A_90 = %scan3A_72) -> (i32)  : i32 {
      %mul3A_91 = arith.constant 16 : i32
      %mul3A_92 = arith.muli %scan3A_89, %mul3A_91 : i32
      %get3A_93 = arith.constant 0 : i32
      %get3A_94 = arith.index_cast %get3A_93 : i32 to index
      %get3A_95 = arith.index_cast %mul3A_92 : i32 to index
      %get3A_96 = tpu.vector_load %arg9[%get3A_94, %get3A_95] {strides = array<i32>} : memref<13x512xf32, #tpu.memory_space<vmem>>, vector<1x16xf32>,
      %get3A_97 = vector.shape_cast %get3A_96 : vector<1x16xf32> to vector<16xf32>
      %mul3A_98 = arith.mulf %get3A_97, %get3A_11 : vector<16xf32>
      %get3A_99 = arith.constant 1 : i32
      %get3A_100 = arith.index_cast %get3A_99 : i32 to index
      %get3A_101 = arith.index_cast %mul3A_92 : i32 to index
      %get3A_102 = tpu.vector_load %arg9[%get3A_100, %get3A_101] {strides = array<i32>} : memref<13x512xf32, #tpu.memory_space<vmem>>, vector<1x16xf32>,
      %get3A_103 = vector.shape_cast %get3A_102 : vector<1x16xf32> to vector<16xf32>
      %mul3A_104 = arith.mulf %get3A_103, %get3A_16 : vector<16xf32>
      %add3A_105 = arith.addf %mul3A_98, %mul3A_104 : vector<16xf32>
      %get3A_106 = arith.constant 2 : i32
      %get3A_107 = arith.index_cast %get3A_106 : i32 to index
      %get3A_108 = arith.index_cast %mul3A_92 : i32 to index
      %get3A_109 = tpu.vector_load %arg9[%get3A_107, %get3A_108] {strides = array<i32>} : memref<13x512xf32, #tpu.memory_space<vmem>>, vector<1x16xf32>,
      %get3A_110 = vector.shape_cast %get3A_109 : vector<1x16xf32> to vector<16xf32>
      %mul3A_111 = arith.mulf %get3A_110, %get3A_21 : vector<16xf32>
      %add3A_112 = arith.addf %add3A_105, %mul3A_111 : vector<16xf32>
      %get3A_113 = arith.constant 3 : i32
      %get3A_114 = arith.index_cast %get3A_113 : i32 to index
      %get3A_115 = arith.index_cast %mul3A_92 : i32 to index
      %get3A_116 = tpu.vector_load %arg9[%get3A_114, %get3A_115] {strides = array<i32>} : memref<13x512xf32, #tpu.memory_space<vmem>>, vector<1x16xf32>,
      %get3A_117 = vector.shape_cast %get3A_116 : vector<1x16xf32> to vector<16xf32>
      %mul3A_118 = arith.mulf %get3A_117, %get3A_26 : vector<16xf32>
      %add3A_119 = arith.addf %add3A_112, %mul3A_118 : vector<16xf32>
      %get3A_120 = arith.constant 4 : i32
      %get3A_121 = arith.index_cast %get3A_120 : i32 to index
      %get3A_122 = arith.index_cast %mul3A_92 : i32 to index
      %get3A_123 = tpu.vector_load %arg9[%get3A_121, %get3A_122] {strides = array<i32>} : memref<13x512xf32, #tpu.memory_space<vmem>>, vector<1x16xf32>,
      %get3A_124 = vector.shape_cast %get3A_123 : vector<1x16xf32> to vector<16xf32>
      %mul3A_125 = arith.mulf %get3A_124, %get3A_31 : vector<16xf32>
      %add3A_126 = arith.addf %add3A_119, %mul3A_125 : vector<16xf32>
      %get3A_127 = arith.constant 5 : i32
      %get3A_128 = arith.index_cast %get3A_127 : i32 to index
      %get3A_129 = arith.index_cast %mul3A_92 : i32 to index
      %get3A_130 = tpu.vector_load %arg9[%get3A_128, %get3A_129] {strides = array<i32>} : memref<13x512xf32, #tpu.memory_space<vmem>>, vector<1x16xf32>,
      %get3A_131 = vector.shape_cast %get3A_130 : vector<1x16xf32> to vector<16xf32>
      %mul3A_132 = arith.mulf %get3A_131, %get3A_36 : vector<16xf32>
      %add3A_133 = arith.addf %add3A_126, %mul3A_132 : vector<16xf32>
      %get3A_134 = arith.constant 6 : i32
      %get3A_135 = arith.index_cast %get3A_134 : i32 to index
      %get3A_136 = arith.index_cast %mul3A_92 : i32 to index
      %get3A_137 = tpu.vector_load %arg9[%get3A_135, %get3A_136] {strides = array<i32>} : memref<13x512xf32, #tpu.memory_space<vmem>>, vector<1x16xf32>,
      %get3A_138 = vector.shape_cast %get3A_137 : vector<1x16xf32> to vector<16xf32>
      %mul3A_139 = arith.mulf %get3A_138, %get3A_41 : vector<16xf32>
      %add3A_140 = arith.addf %add3A_133, %mul3A_139 : vector<16xf32>
      %get3A_141 = arith.constant 7 : i32
      %get3A_142 = arith.index_cast %get3A_141 : i32 to index
      %get3A_143 = arith.index_cast %mul3A_92 : i32 to index
      %get3A_144 = tpu.vector_load %arg9[%get3A_142, %get3A_143] {strides = array<i32>} : memref<13x512xf32, #tpu.memory_space<vmem>>, vector<1x16xf32>,
      %get3A_145 = vector.shape_cast %get3A_144 : vector<1x16xf32> to vector<16xf32>
      %mul3A_146 = arith.mulf %get3A_145, %get3A_46 : vector<16xf32>
      %add3A_147 = arith.addf %add3A_140, %mul3A_146 : vector<16xf32>
      %get3A_148 = arith.constant 8 : i32
      %get3A_149 = arith.index_cast %get3A_148 : i32 to index
      %get3A_150 = arith.index_cast %mul3A_92 : i32 to index
      %get3A_151 = tpu.vector_load %arg9[%get3A_149, %get3A_150] {strides = array<i32>} : memref<13x512xf32, #tpu.memory_space<vmem>>, vector<1x16xf32>,
      %get3A_152 = vector.shape_cast %get3A_151 : vector<1x16xf32> to vector<16xf32>
      %mul3A_153 = arith.mulf %get3A_152, %get3A_51 : vector<16xf32>
      %add3A_154 = arith.addf %add3A_147, %mul3A_153 : vector<16xf32>
      %get3A_155 = arith.constant 9 : i32
      %get3A_156 = arith.index_cast %get3A_155 : i32 to index
      %get3A_157 = arith.index_cast %mul3A_92 : i32 to index
      %get3A_158 = tpu.vector_load %arg9[%get3A_156, %get3A_157] {strides = array<i32>} : memref<13x512xf32, #tpu.memory_space<vmem>>, vector<1x16xf32>,
      %get3A_159 = vector.shape_cast %get3A_158 : vector<1x16xf32> to vector<16xf32>
      %mul3A_160 = arith.mulf %get3A_159, %get3A_56 : vector<16xf32>
      %add3A_161 = arith.addf %add3A_154, %mul3A_160 : vector<16xf32>
      %get3A_162 = arith.constant 10 : i32
      %get3A_163 = arith.index_cast %get3A_162 : i32 to index
      %get3A_164 = arith.index_cast %mul3A_92 : i32 to index
      %get3A_165 = tpu.vector_load %arg9[%get3A_163, %get3A_164] {strides = array<i32>} : memref<13x512xf32, #tpu.memory_space<vmem>>, vector<1x16xf32>,
      %get3A_166 = vector.shape_cast %get3A_165 : vector<1x16xf32> to vector<16xf32>
      %mul3A_167 = arith.mulf %get3A_166, %get3A_61 : vector<16xf32>
      %add3A_168 = arith.addf %add3A_161, %mul3A_167 : vector<16xf32>
      %get3A_169 = arith.constant 11 : i32
      %get3A_170 = arith.index_cast %get3A_169 : i32 to index
      %get3A_171 = arith.index_cast %mul3A_92 : i32 to index
      %get3A_172 = tpu.vector_load %arg9[%get3A_170, %get3A_171] {strides = array<i32>} : memref<13x512xf32, #tpu.memory_space<vmem>>, vector<1x16xf32>,
      %get3A_173 = vector.shape_cast %get3A_172 : vector<1x16xf32> to vector<16xf32>
      %mul3A_174 = arith.mulf %get3A_173, %get3A_66 : vector<16xf32>
      %add3A_175 = arith.addf %add3A_168, %mul3A_174 : vector<16xf32>
      %get3A_176 = arith.constant 12 : i32
      %get3A_177 = arith.index_cast %get3A_176 : i32 to index
      %get3A_178 = arith.index_cast %mul3A_92 : i32 to index
      %get3A_179 = tpu.vector_load %arg9[%get3A_177, %get3A_178] {strides = array<i32>} : memref<13x512xf32, #tpu.memory_space<vmem>>, vector<1x16xf32>,
      %get3A_180 = vector.shape_cast %get3A_179 : vector<1x16xf32> to vector<16xf32>
      %mul3A_181 = arith.mulf %get3A_180, %get3A_71 : vector<16xf32>
      %add3A_182 = arith.addf %add3A_175, %mul3A_181 : vector<16xf32>
      %swap3A = arith.index_cast %mul3A_92 : i32 to index
      %swap3A_183 = tpu.vector_load %arg11[%swap3A] {strides = array<i32>} : memref<512xf32, #tpu.memory_space<vmem>>, vector<16xf32>,
      %swap3A_184 = vector.shape_cast %swap3A_183 : vector<16xf32> to vector<16xf32>
      %swap3A_185 = vector.shape_cast %add3A_182 : vector<16xf32> to vector<16xf32>
      tpu.vector_store %arg11[%swap3A], %swap3A_185 {strides = array<i32>} : memref<512xf32, #tpu.memory_space<vmem>>, vector<16xf32>,
      %scan3A_186 = arith.constant 0 : i32
      scf.yield %scan3A_186 : i32
    }
    %scan3A_78 = arith.constant 32 : i32
    %dma_wait3A = arith.constant 0 : i32
    %dma_wait3A_79 = tpu.memref_slice %arg2[%dma_wait3A] : memref<16000000xf32, #tpu.memory_space<hbm>> -> memref<16000000xf32, #tpu.memory_space<hbm>>
    tpu.wait_indirect_dma semaphore(%arg12 : memref<!tpu.dma_semaphore, #tpu.memory_space<semaphore_mem>>) src(%dma_wait3A_79 : memref<16000000xf32, #tpu.memory_space<hbm>>) dst(%arg8 : memref<8192xf32, #tpu.memory_space<vmem>>)
    %scan3A_80 = arith.constant 0 : i32
    %scan3A_81 = arith.constant 0 : i32
    %scan3A_82 = arith.constant 32 : i32
    %scan3A_83 = arith.addi %scan3A_81, %scan3A_82 : i32
    %scan3A_84 = arith.constant 1 : i32
    %scan3A_85 = scf.for %scan3A_89 = %scan3A_81 to %scan3A_83 step %scan3A_84 iter_args(%scan3A_90 = %scan3A_80) -> (i32)  : i32 {
      %mul3A_91 = arith.constant 16 : i32
      %mul3A_92 = arith.muli %scan3A_89, %mul3A_91 : i32
      %get3A_93 = arith.index_cast %mul3A_92 : i32 to index
      %get3A_94 = tpu.vector_load %arg11[%get3A_93] {strides = array<i32>} : memref<512xf32, #tpu.memory_space<vmem>>, vector<16xf32>,
      %get3A_95 = vector.shape_cast %get3A_94 : vector<16xf32> to vector<16xf32>
      %mul3A_96 = arith.constant 16 : i32
      %mul3A_97 = arith.muli %scan3A_89, %mul3A_96 : i32
      %add3A_98 = arith.constant 0 : i32
      %add3A_99 = arith.addi %add3A_98, %mul3A_97 : i32
      %get3A_100 = arith.index_cast %add3A_99 : i32 to index
      %get3A_101 = tpu.vector_load %arg8[%get3A_100] {strides = array<i32>} : memref<8192xf32, #tpu.memory_space<vmem>>, vector<16xf32>,
      %get3A_102 = vector.shape_cast %get3A_101 : vector<16xf32> to vector<16xf32>
      %add3A_103 = arith.addf %get3A_95, %get3A_102 : vector<16xf32>
      %mul3A_104 = arith.constant 16 : i32
      %mul3A_105 = arith.muli %scan3A_89, %mul3A_104 : i32
      %add3A_106 = arith.constant 512 : i32
      %add3A_107 = arith.addi %add3A_106, %mul3A_105 : i32
      %get3A_108 = arith.index_cast %add3A_107 : i32 to index
      %get3A_109 = tpu.vector_load %arg8[%get3A_108] {strides = array<i32>} : memref<8192xf32, #tpu.memory_space<vmem>>, vector<16xf32>,
      %get3A_110 = vector.shape_cast %get3A_109 : vector<16xf32> to vector<16xf32>
      %add3A_111 = arith.addf %add3A_103, %get3A_110 : vector<16xf32>
      %mul3A_112 = arith.constant 16 : i32
      %mul3A_113 = arith.muli %scan3A_89, %mul3A_112 : i32
      %add3A_114 = arith.constant 1024 : i32
      %add3A_115 = arith.addi %add3A_114, %mul3A_113 : i32
      %get3A_116 = arith.index_cast %add3A_115 : i32 to index
      %get3A_117 = tpu.vector_load %arg8[%get3A_116] {strides = array<i32>} : memref<8192xf32, #tpu.memory_space<vmem>>, vector<16xf32>,
      %get3A_118 = vector.shape_cast %get3A_117 : vector<16xf32> to vector<16xf32>
      %add3A_119 = arith.addf %add3A_111, %get3A_118 : vector<16xf32>
      %mul3A_120 = arith.constant 16 : i32
      %mul3A_121 = arith.muli %scan3A_89, %mul3A_120 : i32
      %add3A_122 = arith.constant 1536 : i32
      %add3A_123 = arith.addi %add3A_122, %mul3A_121 : i32
      %get3A_124 = arith.index_cast %add3A_123 : i32 to index
      %get3A_125 = tpu.vector_load %arg8[%get3A_124] {strides = array<i32>} : memref<8192xf32, #tpu.memory_space<vmem>>, vector<16xf32>,
      %get3A_126 = vector.shape_cast %get3A_125 : vector<16xf32> to vector<16xf32>
      %add3A_127 = arith.addf %add3A_119, %get3A_126 : vector<16xf32>
      %mul3A_128 = arith.constant 16 : i32
      %mul3A_129 = arith.muli %scan3A_89, %mul3A_128 : i32
      %add3A_130 = arith.constant 2048 : i32
      %add3A_131 = arith.addi %add3A_130, %mul3A_129 : i32
      %get3A_132 = arith.index_cast %add3A_131 : i32 to index
      %get3A_133 = tpu.vector_load %arg8[%get3A_132] {strides = array<i32>} : memref<8192xf32, #tpu.memory_space<vmem>>, vector<16xf32>,
      %get3A_134 = vector.shape_cast %get3A_133 : vector<16xf32> to vector<16xf32>
      %add3A_135 = arith.addf %add3A_127, %get3A_134 : vector<16xf32>
      %mul3A_136 = arith.constant 16 : i32
      %mul3A_137 = arith.muli %scan3A_89, %mul3A_136 : i32
      %add3A_138 = arith.constant 2560 : i32
      %add3A_139 = arith.addi %add3A_138, %mul3A_137 : i32
      %get3A_140 = arith.index_cast %add3A_139 : i32 to index
      %get3A_141 = tpu.vector_load %arg8[%get3A_140] {strides = array<i32>} : memref<8192xf32, #tpu.memory_space<vmem>>, vector<16xf32>,
      %get3A_142 = vector.shape_cast %get3A_141 : vector<16xf32> to vector<16xf32>
      %add3A_143 = arith.addf %add3A_135, %get3A_142 : vector<16xf32>
      %mul3A_144 = arith.constant 16 : i32
      %mul3A_145 = arith.muli %scan3A_89, %mul3A_144 : i32
      %add3A_146 = arith.constant 3072 : i32
      %add3A_147 = arith.addi %add3A_146, %mul3A_145 : i32
      %get3A_148 = arith.index_cast %add3A_147 : i32 to index
      %get3A_149 = tpu.vector_load %arg8[%get3A_148] {strides = array<i32>} : memref<8192xf32, #tpu.memory_space<vmem>>, vector<16xf32>,
      %get3A_150 = vector.shape_cast %get3A_149 : vector<16xf32> to vector<16xf32>
      %add3A_151 = arith.addf %add3A_143, %get3A_150 : vector<16xf32>
      %mul3A_152 = arith.constant 16 : i32
      %mul3A_153 = arith.muli %scan3A_89, %mul3A_152 : i32
      %add3A_154 = arith.constant 3584 : i32
      %add3A_155 = arith.addi %add3A_154, %mul3A_153 : i32
      %get3A_156 = arith.index_cast %add3A_155 : i32 to index
      %get3A_157 = tpu.vector_load %arg8[%get3A_156] {strides = array<i32>} : memref<8192xf32, #tpu.memory_space<vmem>>, vector<16xf32>,
      %get3A_158 = vector.shape_cast %get3A_157 : vector<16xf32> to vector<16xf32>
      %add3A_159 = arith.addf %add3A_151, %get3A_158 : vector<16xf32>
      %mul3A_160 = arith.constant 16 : i32
      %mul3A_161 = arith.muli %scan3A_89, %mul3A_160 : i32
      %add3A_162 = arith.constant 4096 : i32
      %add3A_163 = arith.addi %add3A_162, %mul3A_161 : i32
      %get3A_164 = arith.index_cast %add3A_163 : i32 to index
      %get3A_165 = tpu.vector_load %arg8[%get3A_164] {strides = array<i32>} : memref<8192xf32, #tpu.memory_space<vmem>>, vector<16xf32>,
      %get3A_166 = vector.shape_cast %get3A_165 : vector<16xf32> to vector<16xf32>
      %add3A_167 = arith.addf %add3A_159, %get3A_166 : vector<16xf32>
      %mul3A_168 = arith.constant 16 : i32
      %mul3A_169 = arith.muli %scan3A_89, %mul3A_168 : i32
      %add3A_170 = arith.constant 4608 : i32
      %add3A_171 = arith.addi %add3A_170, %mul3A_169 : i32
      %get3A_172 = arith.index_cast %add3A_171 : i32 to index
      %get3A_173 = tpu.vector_load %arg8[%get3A_172] {strides = array<i32>} : memref<8192xf32, #tpu.memory_space<vmem>>, vector<16xf32>,
      %get3A_174 = vector.shape_cast %get3A_173 : vector<16xf32> to vector<16xf32>
      %add3A_175 = arith.addf %add3A_167, %get3A_174 : vector<16xf32>
      %mul3A_176 = arith.constant 16 : i32
      %mul3A_177 = arith.muli %scan3A_89, %mul3A_176 : i32
      %add3A_178 = arith.constant 5120 : i32
      %add3A_179 = arith.addi %add3A_178, %mul3A_177 : i32
      %get3A_180 = arith.index_cast %add3A_179 : i32 to index
      %get3A_181 = tpu.vector_load %arg8[%get3A_180] {strides = array<i32>} : memref<8192xf32, #tpu.memory_space<vmem>>, vector<16xf32>,
      %get3A_182 = vector.shape_cast %get3A_181 : vector<16xf32> to vector<16xf32>
      %add3A_183 = arith.addf %add3A_175, %get3A_182 : vector<16xf32>
      %mul3A_184 = arith.constant 16 : i32
      %mul3A_185 = arith.muli %scan3A_89, %mul3A_184 : i32
      %add3A_186 = arith.constant 5632 : i32
      %add3A_187 = arith.addi %add3A_186, %mul3A_185 : i32
      %get3A_188 = arith.index_cast %add3A_187 : i32 to index
      %get3A_189 = tpu.vector_load %arg8[%get3A_188] {strides = array<i32>} : memref<8192xf32, #tpu.memory_space<vmem>>, vector<16xf32>,
      %get3A_190 = vector.shape_cast %get3A_189 : vector<16xf32> to vector<16xf32>
      %add3A_191 = arith.addf %add3A_183, %get3A_190 : vector<16xf32>
      %mul3A_192 = arith.constant 16 : i32
      %mul3A_193 = arith.muli %scan3A_89, %mul3A_192 : i32
      %add3A_194 = arith.constant 6144 : i32
      %add3A_195 = arith.addi %add3A_194, %mul3A_193 : i32
      %get3A_196 = arith.index_cast %add3A_195 : i32 to index
      %get3A_197 = tpu.vector_load %arg8[%get3A_196] {strides = array<i32>} : memref<8192xf32, #tpu.memory_space<vmem>>, vector<16xf32>,
      %get3A_198 = vector.shape_cast %get3A_197 : vector<16xf32> to vector<16xf32>
      %add3A_199 = arith.addf %add3A_191, %get3A_198 : vector<16xf32>
      %mul3A_200 = arith.constant 16 : i32
      %mul3A_201 = arith.muli %scan3A_89, %mul3A_200 : i32
      %add3A_202 = arith.constant 6656 : i32
      %add3A_203 = arith.addi %add3A_202, %mul3A_201 : i32
      %get3A_204 = arith.index_cast %add3A_203 : i32 to index
      %get3A_205 = tpu.vector_load %arg8[%get3A_204] {strides = array<i32>} : memref<8192xf32, #tpu.memory_space<vmem>>, vector<16xf32>,
      %get3A_206 = vector.shape_cast %get3A_205 : vector<16xf32> to vector<16xf32>
      %add3A_207 = arith.addf %add3A_199, %get3A_206 : vector<16xf32>
      %mul3A_208 = arith.constant 16 : i32
      %mul3A_209 = arith.muli %scan3A_89, %mul3A_208 : i32
      %add3A_210 = arith.constant 7168 : i32
      %add3A_211 = arith.addi %add3A_210, %mul3A_209 : i32
      %get3A_212 = arith.index_cast %add3A_211 : i32 to index
      %get3A_213 = tpu.vector_load %arg8[%get3A_212] {strides = array<i32>} : memref<8192xf32, #tpu.memory_space<vmem>>, vector<16xf32>,
      %get3A_214 = vector.shape_cast %get3A_213 : vector<16xf32> to vector<16xf32>
      %add3A_215 = arith.addf %add3A_207, %get3A_214 : vector<16xf32>
      %mul3A_216 = arith.constant 16 : i32
      %mul3A_217 = arith.muli %scan3A_89, %mul3A_216 : i32
      %add3A_218 = arith.constant 7680 : i32
      %add3A_219 = arith.addi %add3A_218, %mul3A_217 : i32
      %get3A_220 = arith.index_cast %add3A_219 : i32 to index
      %get3A_221 = tpu.vector_load %arg8[%get3A_220] {strides = array<i32>} : memref<8192xf32, #tpu.memory_space<vmem>>, vector<16xf32>,
      %get3A_222 = vector.shape_cast %get3A_221 : vector<16xf32> to vector<16xf32>
      %add3A_223 = arith.addf %add3A_215, %get3A_222 : vector<16xf32>
      %swap3A = arith.index_cast %mul3A_92 : i32 to index
      %swap3A_224 = tpu.vector_load %arg11[%swap3A] {strides = array<i32>} : memref<512xf32, #tpu.memory_space<vmem>>, vector<16xf32>,
      %swap3A_225 = vector.shape_cast %swap3A_224 : vector<16xf32> to vector<16xf32>
      %swap3A_226 = vector.shape_cast %add3A_223 : vector<16xf32> to vector<16xf32>
      tpu.vector_store %arg11[%swap3A], %swap3A_226 {strides = array<i32>} : memref<512xf32, #tpu.memory_space<vmem>>, vector<16xf32>,
      %scan3A_227 = arith.constant 0 : i32
      scf.yield %scan3A_227 : i32
    }
    %scan3A_86 = arith.constant 32 : i32
    %mul3A_87 = arith.constant 512 : i32
    %mul3A_88 = arith.muli %add3A, %mul3A_87 : i32
    "tpu.region"() ({
      %run_scoped3A = tpu.sem_alloc : memref<!tpu.dma_semaphore, #tpu.memory_space<semaphore_mem>>
      %dma_start3A_89 = tpu.memref_slice %arg6[%mul3A_88] : memref<16384xf32, #tpu.memory_space<hbm>> -> memref<512xf32, #tpu.memory_space<hbm>>
      %dma_start3A_90 = tpu.memref_slice %arg6[%mul3A_88] : memref<16384xf32, #tpu.memory_space<hbm>> -> memref<512xf32, #tpu.memory_space<hbm>>
      tpu.enqueue_dma source(%arg11 : memref<512xf32, #tpu.memory_space<vmem>>) target(%dma_start3A_90 : memref<512xf32, #tpu.memory_space<hbm>>) target_semaphore(%run_scoped3A : memref<!tpu.dma_semaphore, #tpu.memory_space<semaphore_mem>>)
      %dma_wait3A_91 = tpu.memref_slice %arg6[%mul3A_88] : memref<16384xf32, #tpu.memory_space<hbm>> -> memref<512xf32, #tpu.memory_space<hbm>>
      %dma_wait3A_92 = tpu.memref_slice %arg6[%mul3A_88] : memref<16384xf32, #tpu.memory_space<hbm>> -> memref<512xf32, #tpu.memory_space<hbm>>
      tpu.wait_dma2 semaphore(%run_scoped3A : memref<!tpu.dma_semaphore, #tpu.memory_space<semaphore_mem>>) src(%arg11 : memref<512xf32, #tpu.memory_space<vmem>>) dst(%dma_wait3A_92 : memref<512xf32, #tpu.memory_space<hbm>>)
      tpu.yield
    }) : () -> ()
    return
  }
}

#map = affine_map<(d0, d1) -> (0)>
#map1 = affine_map<(d0, d1) -> (0, 0)>
module attributes {stable_mosaic.version = 14 : i64} {
  func.func @_sc_body_lo(%arg0: i32, %arg1: i32, %arg2: memref<10000384xf32, #tpu.memory_space<hbm>>, %arg3: memref<32x5120xi32, #tpu.memory_space<hbm>>, %arg4: memref<16384xf32, #tpu.memory_space<hbm>>, %arg5: memref<16384xf32, #tpu.memory_space<hbm>>, %arg6: memref<5120xi32, #tpu.memory_space<vmem>>, %arg7: memref<5120xf32, #tpu.memory_space<vmem>>, %arg8: memref<512xf32, #tpu.memory_space<vmem>>, %arg9: memref<!tpu.dma_semaphore, #tpu.memory_space<semaphore_mem>>) attributes {dimension_semantics = [#tpu.dimension_semantics<core_parallel>, #tpu.dimension_semantics<subcore_parallel>], iteration_bounds = array<i64: 2, 16>, scalar_prefetch = 0 : i64, scratch_operands = 4 : i64, tpu.core_type = #tpu.core_type<sc_vector_subcore>, window_params = [{transform_indices = #map}, {transform_indices = #map1}, {transform_indices = #map}, {transform_indices = #map}]} {
    %mul3A = arith.constant 2 : i32
    %mul3A_0 = arith.muli %arg1, %mul3A : i32
    %add3A = arith.addi %mul3A_0, %arg0 : i32
    "tpu.region"() ({
      %run_scoped3A = tpu.sem_alloc : memref<!tpu.dma_semaphore, #tpu.memory_space<semaphore_mem>>
      %dma_start3A_20 = arith.constant 0 : i32
      %dma_start3A_21 = tpu.memref_slice %arg3[%add3A, %dma_start3A_20] : memref<32x5120xi32, #tpu.memory_space<hbm>> -> memref<1x5120xi32, #tpu.memory_space<hbm>>
      %dma_start3A_22 = tpu.memref_squeeze %dma_start3A_21 : memref<1x5120xi32, #tpu.memory_space<hbm>> -> memref<5120xi32, #tpu.memory_space<hbm>>
      %dma_start3A_23 = arith.constant 0 : i32
      %dma_start3A_24 = tpu.memref_slice %arg3[%add3A, %dma_start3A_23] : memref<32x5120xi32, #tpu.memory_space<hbm>> -> memref<1x5120xi32, #tpu.memory_space<hbm>>
      %dma_start3A_25 = tpu.memref_squeeze %dma_start3A_24 : memref<1x5120xi32, #tpu.memory_space<hbm>> -> memref<5120xi32, #tpu.memory_space<hbm>>
      tpu.enqueue_dma source(%dma_start3A_25 : memref<5120xi32, #tpu.memory_space<hbm>>) target(%arg6 : memref<5120xi32, #tpu.memory_space<vmem>>) target_semaphore(%run_scoped3A : memref<!tpu.dma_semaphore, #tpu.memory_space<semaphore_mem>>)
      %dma_wait3A_26 = arith.constant 0 : i32
      %dma_wait3A_27 = tpu.memref_slice %arg3[%add3A, %dma_wait3A_26] : memref<32x5120xi32, #tpu.memory_space<hbm>> -> memref<1x5120xi32, #tpu.memory_space<hbm>>
      %dma_wait3A_28 = tpu.memref_squeeze %dma_wait3A_27 : memref<1x5120xi32, #tpu.memory_space<hbm>> -> memref<5120xi32, #tpu.memory_space<hbm>>
      %dma_wait3A_29 = arith.constant 0 : i32
      %dma_wait3A_30 = tpu.memref_slice %arg3[%add3A, %dma_wait3A_29] : memref<32x5120xi32, #tpu.memory_space<hbm>> -> memref<1x5120xi32, #tpu.memory_space<hbm>>
      %dma_wait3A_31 = tpu.memref_squeeze %dma_wait3A_30 : memref<1x5120xi32, #tpu.memory_space<hbm>> -> memref<5120xi32, #tpu.memory_space<hbm>>
      tpu.wait_dma2 semaphore(%run_scoped3A : memref<!tpu.dma_semaphore, #tpu.memory_space<semaphore_mem>>) src(%dma_wait3A_31 : memref<5120xi32, #tpu.memory_space<hbm>>) dst(%arg6 : memref<5120xi32, #tpu.memory_space<vmem>>)
      tpu.yield
    }) : () -> ()
    %scan3A = arith.constant 0 : i32
    %scan3A_1 = arith.constant 0 : i32
    %scan3A_2 = arith.constant 32 : i32
    %scan3A_3 = arith.addi %scan3A_1, %scan3A_2 : i32
    %scan3A_4 = arith.constant 1 : i32
    %scan3A_5 = scf.for %scan3A_20 = %scan3A_1 to %scan3A_3 step %scan3A_4 iter_args(%scan3A_21 = %scan3A) -> (i32)  : i32 {
      %mul3A_22 = arith.constant 16 : i32
      %mul3A_23 = arith.muli %scan3A_20, %mul3A_22 : i32
      %add3A_24 = arith.constant 512 : i32
      %add3A_25 = arith.addi %add3A_24, %mul3A_23 : i32
      %get3A = arith.index_cast %add3A_25 : i32 to index
      %get3A_26 = tpu.vector_load %arg6[%get3A] {strides = array<i32>} : memref<5120xi32, #tpu.memory_space<vmem>>, vector<16xi32>,
      %get3A_27 = vector.shape_cast %get3A_26 : vector<16xi32> to vector<16xi32>
      %add3A_28 = arith.constant 1000000 : i32
      %add3A_29 = vector.broadcast %add3A_28 : i32 to vector<16xi32>
      %add3A_30 = arith.addi %get3A_27, %add3A_29 : vector<16xi32>
      %swap3A = arith.index_cast %add3A_25 : i32 to index
      %swap3A_31 = tpu.vector_load %arg6[%swap3A] {strides = array<i32>} : memref<5120xi32, #tpu.memory_space<vmem>>, vector<16xi32>,
      %swap3A_32 = vector.shape_cast %swap3A_31 : vector<16xi32> to vector<16xi32>
      %swap3A_33 = vector.shape_cast %add3A_30 : vector<16xi32> to vector<16xi32>
      tpu.vector_store %arg6[%swap3A], %swap3A_33 {strides = array<i32>} : memref<5120xi32, #tpu.memory_space<vmem>>, vector<16xi32>,
      %mul3A_34 = arith.constant 16 : i32
      %mul3A_35 = arith.muli %scan3A_20, %mul3A_34 : i32
      %add3A_36 = arith.constant 1024 : i32
      %add3A_37 = arith.addi %add3A_36, %mul3A_35 : i32
      %get3A_38 = arith.index_cast %add3A_37 : i32 to index
      %get3A_39 = tpu.vector_load %arg6[%get3A_38] {strides = array<i32>} : memref<5120xi32, #tpu.memory_space<vmem>>, vector<16xi32>,
      %get3A_40 = vector.shape_cast %get3A_39 : vector<16xi32> to vector<16xi32>
      %add3A_41 = arith.constant 2000000 : i32
      %add3A_42 = vector.broadcast %add3A_41 : i32 to vector<16xi32>
      %add3A_43 = arith.addi %get3A_40, %add3A_42 : vector<16xi32>
      %swap3A_44 = arith.index_cast %add3A_37 : i32 to index
      %swap3A_45 = tpu.vector_load %arg6[%swap3A_44] {strides = array<i32>} : memref<5120xi32, #tpu.memory_space<vmem>>, vector<16xi32>,
      %swap3A_46 = vector.shape_cast %swap3A_45 : vector<16xi32> to vector<16xi32>
      %swap3A_47 = vector.shape_cast %add3A_43 : vector<16xi32> to vector<16xi32>
      tpu.vector_store %arg6[%swap3A_44], %swap3A_47 {strides = array<i32>} : memref<5120xi32, #tpu.memory_space<vmem>>, vector<16xi32>,
      %mul3A_48 = arith.constant 16 : i32
      %mul3A_49 = arith.muli %scan3A_20, %mul3A_48 : i32
      %add3A_50 = arith.constant 1536 : i32
      %add3A_51 = arith.addi %add3A_50, %mul3A_49 : i32
      %get3A_52 = arith.index_cast %add3A_51 : i32 to index
      %get3A_53 = tpu.vector_load %arg6[%get3A_52] {strides = array<i32>} : memref<5120xi32, #tpu.memory_space<vmem>>, vector<16xi32>,
      %get3A_54 = vector.shape_cast %get3A_53 : vector<16xi32> to vector<16xi32>
      %add3A_55 = arith.constant 3000000 : i32
      %add3A_56 = vector.broadcast %add3A_55 : i32 to vector<16xi32>
      %add3A_57 = arith.addi %get3A_54, %add3A_56 : vector<16xi32>
      %swap3A_58 = arith.index_cast %add3A_51 : i32 to index
      %swap3A_59 = tpu.vector_load %arg6[%swap3A_58] {strides = array<i32>} : memref<5120xi32, #tpu.memory_space<vmem>>, vector<16xi32>,
      %swap3A_60 = vector.shape_cast %swap3A_59 : vector<16xi32> to vector<16xi32>
      %swap3A_61 = vector.shape_cast %add3A_57 : vector<16xi32> to vector<16xi32>
      tpu.vector_store %arg6[%swap3A_58], %swap3A_61 {strides = array<i32>} : memref<5120xi32, #tpu.memory_space<vmem>>, vector<16xi32>,
      %mul3A_62 = arith.constant 16 : i32
      %mul3A_63 = arith.muli %scan3A_20, %mul3A_62 : i32
      %add3A_64 = arith.constant 2048 : i32
      %add3A_65 = arith.addi %add3A_64, %mul3A_63 : i32
      %get3A_66 = arith.index_cast %add3A_65 : i32 to index
      %get3A_67 = tpu.vector_load %arg6[%get3A_66] {strides = array<i32>} : memref<5120xi32, #tpu.memory_space<vmem>>, vector<16xi32>,
      %get3A_68 = vector.shape_cast %get3A_67 : vector<16xi32> to vector<16xi32>
      %add3A_69 = arith.constant 4000000 : i32
      %add3A_70 = vector.broadcast %add3A_69 : i32 to vector<16xi32>
      %add3A_71 = arith.addi %get3A_68, %add3A_70 : vector<16xi32>
      %swap3A_72 = arith.index_cast %add3A_65 : i32 to index
      %swap3A_73 = tpu.vector_load %arg6[%swap3A_72] {strides = array<i32>} : memref<5120xi32, #tpu.memory_space<vmem>>, vector<16xi32>,
      %swap3A_74 = vector.shape_cast %swap3A_73 : vector<16xi32> to vector<16xi32>
      %swap3A_75 = vector.shape_cast %add3A_71 : vector<16xi32> to vector<16xi32>
      tpu.vector_store %arg6[%swap3A_72], %swap3A_75 {strides = array<i32>} : memref<5120xi32, #tpu.memory_space<vmem>>, vector<16xi32>,
      %mul3A_76 = arith.constant 16 : i32
      %mul3A_77 = arith.muli %scan3A_20, %mul3A_76 : i32
      %add3A_78 = arith.constant 2560 : i32
      %add3A_79 = arith.addi %add3A_78, %mul3A_77 : i32
      %get3A_80 = arith.index_cast %add3A_79 : i32 to index
      %get3A_81 = tpu.vector_load %arg6[%get3A_80] {strides = array<i32>} : memref<5120xi32, #tpu.memory_space<vmem>>, vector<16xi32>,
      %get3A_82 = vector.shape_cast %get3A_81 : vector<16xi32> to vector<16xi32>
      %add3A_83 = arith.constant 5000000 : i32
      %add3A_84 = vector.broadcast %add3A_83 : i32 to vector<16xi32>
      %add3A_85 = arith.addi %get3A_82, %add3A_84 : vector<16xi32>
      %swap3A_86 = arith.index_cast %add3A_79 : i32 to index
      %swap3A_87 = tpu.vector_load %arg6[%swap3A_86] {strides = array<i32>} : memref<5120xi32, #tpu.memory_space<vmem>>, vector<16xi32>,
      %swap3A_88 = vector.shape_cast %swap3A_87 : vector<16xi32> to vector<16xi32>
      %swap3A_89 = vector.shape_cast %add3A_85 : vector<16xi32> to vector<16xi32>
      tpu.vector_store %arg6[%swap3A_86], %swap3A_89 {strides = array<i32>} : memref<5120xi32, #tpu.memory_space<vmem>>, vector<16xi32>,
      %mul3A_90 = arith.constant 16 : i32
      %mul3A_91 = arith.muli %scan3A_20, %mul3A_90 : i32
      %add3A_92 = arith.constant 3072 : i32
      %add3A_93 = arith.addi %add3A_92, %mul3A_91 : i32
      %get3A_94 = arith.index_cast %add3A_93 : i32 to index
      %get3A_95 = tpu.vector_load %arg6[%get3A_94] {strides = array<i32>} : memref<5120xi32, #tpu.memory_space<vmem>>, vector<16xi32>,
      %get3A_96 = vector.shape_cast %get3A_95 : vector<16xi32> to vector<16xi32>
      %add3A_97 = arith.constant 6000000 : i32
      %add3A_98 = vector.broadcast %add3A_97 : i32 to vector<16xi32>
      %add3A_99 = arith.addi %get3A_96, %add3A_98 : vector<16xi32>
      %swap3A_100 = arith.index_cast %add3A_93 : i32 to index
      %swap3A_101 = tpu.vector_load %arg6[%swap3A_100] {strides = array<i32>} : memref<5120xi32, #tpu.memory_space<vmem>>, vector<16xi32>,
      %swap3A_102 = vector.shape_cast %swap3A_101 : vector<16xi32> to vector<16xi32>
      %swap3A_103 = vector.shape_cast %add3A_99 : vector<16xi32> to vector<16xi32>
      tpu.vector_store %arg6[%swap3A_100], %swap3A_103 {strides = array<i32>} : memref<5120xi32, #tpu.memory_space<vmem>>, vector<16xi32>,
      %mul3A_104 = arith.constant 16 : i32
      %mul3A_105 = arith.muli %scan3A_20, %mul3A_104 : i32
      %add3A_106 = arith.constant 3584 : i32
      %add3A_107 = arith.addi %add3A_106, %mul3A_105 : i32
      %get3A_108 = arith.index_cast %add3A_107 : i32 to index
      %get3A_109 = tpu.vector_load %arg6[%get3A_108] {strides = array<i32>} : memref<5120xi32, #tpu.memory_space<vmem>>, vector<16xi32>,
      %get3A_110 = vector.shape_cast %get3A_109 : vector<16xi32> to vector<16xi32>
      %add3A_111 = arith.constant 7000000 : i32
      %add3A_112 = vector.broadcast %add3A_111 : i32 to vector<16xi32>
      %add3A_113 = arith.addi %get3A_110, %add3A_112 : vector<16xi32>
      %swap3A_114 = arith.index_cast %add3A_107 : i32 to index
      %swap3A_115 = tpu.vector_load %arg6[%swap3A_114] {strides = array<i32>} : memref<5120xi32, #tpu.memory_space<vmem>>, vector<16xi32>,
      %swap3A_116 = vector.shape_cast %swap3A_115 : vector<16xi32> to vector<16xi32>
      %swap3A_117 = vector.shape_cast %add3A_113 : vector<16xi32> to vector<16xi32>
      tpu.vector_store %arg6[%swap3A_114], %swap3A_117 {strides = array<i32>} : memref<5120xi32, #tpu.memory_space<vmem>>, vector<16xi32>,
      %mul3A_118 = arith.constant 16 : i32
      %mul3A_119 = arith.muli %scan3A_20, %mul3A_118 : i32
      %add3A_120 = arith.constant 4096 : i32
      %add3A_121 = arith.addi %add3A_120, %mul3A_119 : i32
      %get3A_122 = arith.index_cast %add3A_121 : i32 to index
      %get3A_123 = tpu.vector_load %arg6[%get3A_122] {strides = array<i32>} : memref<5120xi32, #tpu.memory_space<vmem>>, vector<16xi32>,
      %get3A_124 = vector.shape_cast %get3A_123 : vector<16xi32> to vector<16xi32>
      %add3A_125 = arith.constant 8000000 : i32
      %add3A_126 = vector.broadcast %add3A_125 : i32 to vector<16xi32>
      %add3A_127 = arith.addi %get3A_124, %add3A_126 : vector<16xi32>
      %swap3A_128 = arith.index_cast %add3A_121 : i32 to index
      %swap3A_129 = tpu.vector_load %arg6[%swap3A_128] {strides = array<i32>} : memref<5120xi32, #tpu.memory_space<vmem>>, vector<16xi32>,
      %swap3A_130 = vector.shape_cast %swap3A_129 : vector<16xi32> to vector<16xi32>
      %swap3A_131 = vector.shape_cast %add3A_127 : vector<16xi32> to vector<16xi32>
      tpu.vector_store %arg6[%swap3A_128], %swap3A_131 {strides = array<i32>} : memref<5120xi32, #tpu.memory_space<vmem>>, vector<16xi32>,
      %mul3A_132 = arith.constant 16 : i32
      %mul3A_133 = arith.muli %scan3A_20, %mul3A_132 : i32
      %add3A_134 = arith.constant 4608 : i32
      %add3A_135 = arith.addi %add3A_134, %mul3A_133 : i32
      %get3A_136 = arith.index_cast %add3A_135 : i32 to index
      %get3A_137 = tpu.vector_load %arg6[%get3A_136] {strides = array<i32>} : memref<5120xi32, #tpu.memory_space<vmem>>, vector<16xi32>,
      %get3A_138 = vector.shape_cast %get3A_137 : vector<16xi32> to vector<16xi32>
      %add3A_139 = arith.constant 9000000 : i32
      %add3A_140 = vector.broadcast %add3A_139 : i32 to vector<16xi32>
      %add3A_141 = arith.addi %get3A_138, %add3A_140 : vector<16xi32>
      %swap3A_142 = arith.index_cast %add3A_135 : i32 to index
      %swap3A_143 = tpu.vector_load %arg6[%swap3A_142] {strides = array<i32>} : memref<5120xi32, #tpu.memory_space<vmem>>, vector<16xi32>,
      %swap3A_144 = vector.shape_cast %swap3A_143 : vector<16xi32> to vector<16xi32>
      %swap3A_145 = vector.shape_cast %add3A_141 : vector<16xi32> to vector<16xi32>
      tpu.vector_store %arg6[%swap3A_142], %swap3A_145 {strides = array<i32>} : memref<5120xi32, #tpu.memory_space<vmem>>, vector<16xi32>,
      %scan3A_146 = arith.constant 0 : i32
      scf.yield %scan3A_146 : i32
    }
    %scan3A_6 = arith.constant 32 : i32
    %dma_start3A = arith.constant 0 : i32
    %dma_start3A_7 = tpu.memref_slice %arg2[%dma_start3A] : memref<10000384xf32, #tpu.memory_space<hbm>> -> memref<10000384xf32, #tpu.memory_space<hbm>>
    tpu.enqueue_indirect_dma source(%dma_start3A_7 : memref<10000384xf32, #tpu.memory_space<hbm>>) target(%arg7 : memref<5120xf32, #tpu.memory_space<vmem>>) offsets(%arg6 : memref<5120xi32, #tpu.memory_space<vmem>>) semaphore(%arg9 : memref<!tpu.dma_semaphore, #tpu.memory_space<semaphore_mem>>)
    %mul3A_8 = arith.constant 512 : i32
    %mul3A_9 = arith.muli %add3A, %mul3A_8 : i32
    "tpu.region"() ({
      %run_scoped3A = tpu.sem_alloc : memref<!tpu.dma_semaphore, #tpu.memory_space<semaphore_mem>>
      %dma_start3A_20 = tpu.memref_slice %arg4[%mul3A_9] : memref<16384xf32, #tpu.memory_space<hbm>> -> memref<512xf32, #tpu.memory_space<hbm>>
      %dma_start3A_21 = tpu.memref_slice %arg4[%mul3A_9] : memref<16384xf32, #tpu.memory_space<hbm>> -> memref<512xf32, #tpu.memory_space<hbm>>
      tpu.enqueue_dma source(%dma_start3A_21 : memref<512xf32, #tpu.memory_space<hbm>>) target(%arg8 : memref<512xf32, #tpu.memory_space<vmem>>) target_semaphore(%run_scoped3A : memref<!tpu.dma_semaphore, #tpu.memory_space<semaphore_mem>>)
      %dma_wait3A_22 = tpu.memref_slice %arg4[%mul3A_9] : memref<16384xf32, #tpu.memory_space<hbm>> -> memref<512xf32, #tpu.memory_space<hbm>>
      %dma_wait3A_23 = tpu.memref_slice %arg4[%mul3A_9] : memref<16384xf32, #tpu.memory_space<hbm>> -> memref<512xf32, #tpu.memory_space<hbm>>
      tpu.wait_dma2 semaphore(%run_scoped3A : memref<!tpu.dma_semaphore, #tpu.memory_space<semaphore_mem>>) src(%dma_wait3A_23 : memref<512xf32, #tpu.memory_space<hbm>>) dst(%arg8 : memref<512xf32, #tpu.memory_space<vmem>>)
      tpu.yield
    }) : () -> ()
    %dma_wait3A = arith.constant 0 : i32
    %dma_wait3A_10 = tpu.memref_slice %arg2[%dma_wait3A] : memref<10000384xf32, #tpu.memory_space<hbm>> -> memref<10000384xf32, #tpu.memory_space<hbm>>
    tpu.wait_indirect_dma semaphore(%arg9 : memref<!tpu.dma_semaphore, #tpu.memory_space<semaphore_mem>>) src(%dma_wait3A_10 : memref<10000384xf32, #tpu.memory_space<hbm>>) dst(%arg7 : memref<5120xf32, #tpu.memory_space<vmem>>)
    %scan3A_11 = arith.constant 0 : i32
    %scan3A_12 = arith.constant 0 : i32
    %scan3A_13 = arith.constant 32 : i32
    %scan3A_14 = arith.addi %scan3A_12, %scan3A_13 : i32
    %scan3A_15 = arith.constant 1 : i32
    %scan3A_16 = scf.for %scan3A_20 = %scan3A_12 to %scan3A_14 step %scan3A_15 iter_args(%scan3A_21 = %scan3A_11) -> (i32)  : i32 {
      %mul3A_22 = arith.constant 16 : i32
      %mul3A_23 = arith.muli %scan3A_20, %mul3A_22 : i32
      %get3A = arith.index_cast %mul3A_23 : i32 to index
      %get3A_24 = tpu.vector_load %arg8[%get3A] {strides = array<i32>} : memref<512xf32, #tpu.memory_space<vmem>>, vector<16xf32>,
      %get3A_25 = vector.shape_cast %get3A_24 : vector<16xf32> to vector<16xf32>
      %mul3A_26 = arith.constant 16 : i32
      %mul3A_27 = arith.muli %scan3A_20, %mul3A_26 : i32
      %add3A_28 = arith.constant 0 : i32
      %add3A_29 = arith.addi %add3A_28, %mul3A_27 : i32
      %get3A_30 = arith.index_cast %add3A_29 : i32 to index
      %get3A_31 = tpu.vector_load %arg7[%get3A_30] {strides = array<i32>} : memref<5120xf32, #tpu.memory_space<vmem>>, vector<16xf32>,
      %get3A_32 = vector.shape_cast %get3A_31 : vector<16xf32> to vector<16xf32>
      %add3A_33 = arith.addf %get3A_25, %get3A_32 : vector<16xf32>
      %mul3A_34 = arith.constant 16 : i32
      %mul3A_35 = arith.muli %scan3A_20, %mul3A_34 : i32
      %add3A_36 = arith.constant 512 : i32
      %add3A_37 = arith.addi %add3A_36, %mul3A_35 : i32
      %get3A_38 = arith.index_cast %add3A_37 : i32 to index
      %get3A_39 = tpu.vector_load %arg7[%get3A_38] {strides = array<i32>} : memref<5120xf32, #tpu.memory_space<vmem>>, vector<16xf32>,
      %get3A_40 = vector.shape_cast %get3A_39 : vector<16xf32> to vector<16xf32>
      %add3A_41 = arith.addf %add3A_33, %get3A_40 : vector<16xf32>
      %mul3A_42 = arith.constant 16 : i32
      %mul3A_43 = arith.muli %scan3A_20, %mul3A_42 : i32
      %add3A_44 = arith.constant 1024 : i32
      %add3A_45 = arith.addi %add3A_44, %mul3A_43 : i32
      %get3A_46 = arith.index_cast %add3A_45 : i32 to index
      %get3A_47 = tpu.vector_load %arg7[%get3A_46] {strides = array<i32>} : memref<5120xf32, #tpu.memory_space<vmem>>, vector<16xf32>,
      %get3A_48 = vector.shape_cast %get3A_47 : vector<16xf32> to vector<16xf32>
      %add3A_49 = arith.addf %add3A_41, %get3A_48 : vector<16xf32>
      %mul3A_50 = arith.constant 16 : i32
      %mul3A_51 = arith.muli %scan3A_20, %mul3A_50 : i32
      %add3A_52 = arith.constant 1536 : i32
      %add3A_53 = arith.addi %add3A_52, %mul3A_51 : i32
      %get3A_54 = arith.index_cast %add3A_53 : i32 to index
      %get3A_55 = tpu.vector_load %arg7[%get3A_54] {strides = array<i32>} : memref<5120xf32, #tpu.memory_space<vmem>>, vector<16xf32>,
      %get3A_56 = vector.shape_cast %get3A_55 : vector<16xf32> to vector<16xf32>
      %add3A_57 = arith.addf %add3A_49, %get3A_56 : vector<16xf32>
      %mul3A_58 = arith.constant 16 : i32
      %mul3A_59 = arith.muli %scan3A_20, %mul3A_58 : i32
      %add3A_60 = arith.constant 2048 : i32
      %add3A_61 = arith.addi %add3A_60, %mul3A_59 : i32
      %get3A_62 = arith.index_cast %add3A_61 : i32 to index
      %get3A_63 = tpu.vector_load %arg7[%get3A_62] {strides = array<i32>} : memref<5120xf32, #tpu.memory_space<vmem>>, vector<16xf32>,
      %get3A_64 = vector.shape_cast %get3A_63 : vector<16xf32> to vector<16xf32>
      %add3A_65 = arith.addf %add3A_57, %get3A_64 : vector<16xf32>
      %mul3A_66 = arith.constant 16 : i32
      %mul3A_67 = arith.muli %scan3A_20, %mul3A_66 : i32
      %add3A_68 = arith.constant 2560 : i32
      %add3A_69 = arith.addi %add3A_68, %mul3A_67 : i32
      %get3A_70 = arith.index_cast %add3A_69 : i32 to index
      %get3A_71 = tpu.vector_load %arg7[%get3A_70] {strides = array<i32>} : memref<5120xf32, #tpu.memory_space<vmem>>, vector<16xf32>,
      %get3A_72 = vector.shape_cast %get3A_71 : vector<16xf32> to vector<16xf32>
      %add3A_73 = arith.addf %add3A_65, %get3A_72 : vector<16xf32>
      %mul3A_74 = arith.constant 16 : i32
      %mul3A_75 = arith.muli %scan3A_20, %mul3A_74 : i32
      %add3A_76 = arith.constant 3072 : i32
      %add3A_77 = arith.addi %add3A_76, %mul3A_75 : i32
      %get3A_78 = arith.index_cast %add3A_77 : i32 to index
      %get3A_79 = tpu.vector_load %arg7[%get3A_78] {strides = array<i32>} : memref<5120xf32, #tpu.memory_space<vmem>>, vector<16xf32>,
      %get3A_80 = vector.shape_cast %get3A_79 : vector<16xf32> to vector<16xf32>
      %add3A_81 = arith.addf %add3A_73, %get3A_80 : vector<16xf32>
      %mul3A_82 = arith.constant 16 : i32
      %mul3A_83 = arith.muli %scan3A_20, %mul3A_82 : i32
      %add3A_84 = arith.constant 3584 : i32
      %add3A_85 = arith.addi %add3A_84, %mul3A_83 : i32
      %get3A_86 = arith.index_cast %add3A_85 : i32 to index
      %get3A_87 = tpu.vector_load %arg7[%get3A_86] {strides = array<i32>} : memref<5120xf32, #tpu.memory_space<vmem>>, vector<16xf32>,
      %get3A_88 = vector.shape_cast %get3A_87 : vector<16xf32> to vector<16xf32>
      %add3A_89 = arith.addf %add3A_81, %get3A_88 : vector<16xf32>
      %mul3A_90 = arith.constant 16 : i32
      %mul3A_91 = arith.muli %scan3A_20, %mul3A_90 : i32
      %add3A_92 = arith.constant 4096 : i32
      %add3A_93 = arith.addi %add3A_92, %mul3A_91 : i32
      %get3A_94 = arith.index_cast %add3A_93 : i32 to index
      %get3A_95 = tpu.vector_load %arg7[%get3A_94] {strides = array<i32>} : memref<5120xf32, #tpu.memory_space<vmem>>, vector<16xf32>,
      %get3A_96 = vector.shape_cast %get3A_95 : vector<16xf32> to vector<16xf32>
      %add3A_97 = arith.addf %add3A_89, %get3A_96 : vector<16xf32>
      %mul3A_98 = arith.constant 16 : i32
      %mul3A_99 = arith.muli %scan3A_20, %mul3A_98 : i32
      %add3A_100 = arith.constant 4608 : i32
      %add3A_101 = arith.addi %add3A_100, %mul3A_99 : i32
      %get3A_102 = arith.index_cast %add3A_101 : i32 to index
      %get3A_103 = tpu.vector_load %arg7[%get3A_102] {strides = array<i32>} : memref<5120xf32, #tpu.memory_space<vmem>>, vector<16xf32>,
      %get3A_104 = vector.shape_cast %get3A_103 : vector<16xf32> to vector<16xf32>
      %add3A_105 = arith.addf %add3A_97, %get3A_104 : vector<16xf32>
      %swap3A = arith.index_cast %mul3A_23 : i32 to index
      %swap3A_106 = tpu.vector_load %arg8[%swap3A] {strides = array<i32>} : memref<512xf32, #tpu.memory_space<vmem>>, vector<16xf32>,
      %swap3A_107 = vector.shape_cast %swap3A_106 : vector<16xf32> to vector<16xf32>
      %swap3A_108 = vector.shape_cast %add3A_105 : vector<16xf32> to vector<16xf32>
      tpu.vector_store %arg8[%swap3A], %swap3A_108 {strides = array<i32>} : memref<512xf32, #tpu.memory_space<vmem>>, vector<16xf32>,
      %scan3A_109 = arith.constant 0 : i32
      scf.yield %scan3A_109 : i32
    }
    %scan3A_17 = arith.constant 32 : i32
    %mul3A_18 = arith.constant 512 : i32
    %mul3A_19 = arith.muli %add3A, %mul3A_18 : i32
    "tpu.region"() ({
      %run_scoped3A = tpu.sem_alloc : memref<!tpu.dma_semaphore, #tpu.memory_space<semaphore_mem>>
      %dma_start3A_20 = tpu.memref_slice %arg5[%mul3A_19] : memref<16384xf32, #tpu.memory_space<hbm>> -> memref<512xf32, #tpu.memory_space<hbm>>
      %dma_start3A_21 = tpu.memref_slice %arg5[%mul3A_19] : memref<16384xf32, #tpu.memory_space<hbm>> -> memref<512xf32, #tpu.memory_space<hbm>>
      tpu.enqueue_dma source(%arg8 : memref<512xf32, #tpu.memory_space<vmem>>) target(%dma_start3A_21 : memref<512xf32, #tpu.memory_space<hbm>>) target_semaphore(%run_scoped3A : memref<!tpu.dma_semaphore, #tpu.memory_space<semaphore_mem>>)
      %dma_wait3A_22 = tpu.memref_slice %arg5[%mul3A_19] : memref<16384xf32, #tpu.memory_space<hbm>> -> memref<512xf32, #tpu.memory_space<hbm>>
      %dma_wait3A_23 = tpu.memref_slice %arg5[%mul3A_19] : memref<16384xf32, #tpu.memory_space<hbm>> -> memref<512xf32, #tpu.memory_space<hbm>>
      tpu.wait_dma2 semaphore(%run_scoped3A : memref<!tpu.dma_semaphore, #tpu.memory_space<semaphore_mem>>) src(%arg8 : memref<512xf32, #tpu.memory_space<vmem>>) dst(%dma_wait3A_23 : memref<512xf32, #tpu.memory_space<hbm>>)
      tpu.yield
    }) : () -> ()
    return
  }
}

</mosaic_0001>

<sc_bundles>
// kernel: _run.4.cloned.1.call-start
scs
__scs_entry_jumppad:
0x0: {  	(pc) =	sbr.rel $0x88, $3  }
0x1: {  	(tag) =	ssettag $0x0;
	lr =	simm.s32 $0x1  }
0x2: {  	[smem:$0x3F9B] =	sst lr;
	_ =	strace $0xD0000000  }
0x3: {  	_ = 	snop  }
0x4: {  	_ = 	snop  }
0x5: {  	_ = 	snop  }
0x6: {  	_ = 	snop  }
0x7: {  	_ = 	snop  }
__scs_overlays_trampoline_lowered:
0x8: {  	[smem:$0x3FAA] =	sst s0  }
0x9: {  	[smem:$0x3FAB] =	sst s1  }
0xa: {  	[smem:$0x3FAC] =	sst s2  }
0xb: {  	[smem:$0x3FAD] =	sst s3  }
0xc: {  	[smem:$0x3FAE] =	sst s4  }
0xd: {  	[smem:$0x3FAF] =	sst s5  }
0xe: {  	[smem:$0x3FB0] =	sst s6  }
0xf: {  	[smem:$0x3FB1] =	sst s7  }
0x10: {  	[smem:$0x3FB2] =	sst s8  }
0x11: {  	[smem:$0x3FB3] =	sst s9;
	s0 =	simm.s32 @!p0 $0x0  }
0x12: {  	s1 =	sld [smem:$0x3F99];
	s0 =	simm.s32 @p0 $0x1  }
0x13: {  	[smem:$0x3FB4] =	sst s0;
	s0 =	simm.s32 @!p1 $0x0  }
0x14: {  	s2 =	sld [smem:$0x3F98];
	s0 =	simm.s32 @p1 $0x1  }
0x15: {  	[smem:$0x3FB5] =	sst s0;
	s0 =	simm.s32 @!p2 $0x0  }
0x16: {  	s3 =	sld [smem:$0x3FDB];
	s0 =	simm.s32 @p2 $0x1  }
0x17: {  	s4 =	simm.s32 $0x1BF5;
	[smem:$0x3FB7] =	sst s0  }
0x18: {  	s0 =	sld [smem:$0x3F9A];
	_ =	swait.ge [sflag:s4], $0x0  }
0x19: {  	s7 =	sld [smem:$0x3F9B]  }
0x1a: {  	s8 =	sadd.s32 $0xFFFFE003, lr  }
0x1b: {  	s9 =	sadd.s32 $0xFFFFFEF7, lr;
	s5 =	simm.s32 $0xFFFFFFFF;
	p2 =	slt.u32 s8, $0xFFFFF086  }
0x1c: {  	p1 =	slt.u32 s9, $0xF7A;
	s5 =	simm.s32 @!p2 $0x0  }
0x1d: {  	s5 =	simm.s32 @p1 $0x1;
	p0 =	seq.s32 s7, s2  }
0x1e: {  	s7 =	smul.u32 @!p0 $0xF7A, s2;
	p2 =	seq.s32 @!p0 s5, $0x0  }
0x1f: {  	s9 =	smul.u32 $0xF7A, s1;
	s8 =	simm.s32 @!p0 $0x1BF5;
	p2 =	por !p2, p0  }
0x20: {  	[sflag:s8] =	ssyncset.s32 @!p0 $0xFFFFF086;
	s6 =	sadd.s32 @!p0 s3, s7;
	s7 =	simm.s32 @!p0 $0x108  }
0x21: {  	s3 =	sadd.s32 s3, s9;
	s6 =	sadd.s32 @!p0 $0x88, s6;
	s7 =	simm.s32 @p2 $0x1082  }
0x22: {  	[simem:s7], [sflag:s8] =	dma.local @!p0 [hbm:s6], $0xF7A  }
0x23: {  	s9 =	sor.u32 $0xD0000000, s2;
	s6 =	simm.s32 $0x108;
	_ =	swait.ge @!p0 [sflag:s8], $0x0  }
0x24: {  	s3 =	sadd.s32 $0x88, s3;
	s6 =	simm.s32 @!p1 $0x1082;
	[sflag:s4] =	ssyncset.s32 $0xFFFFF086  }
0x25: {  	[simem:s6], [sflag:s4] =	dma.local [hbm:s3], $0xF7A  }
0x26: {  	[smem:$0x3F9B] =	sst s1;
	(tag) =	ssettag s2;
	_ =	strace s9  }
0x27: {  	s1 =	sld [smem:$0x3FAB]  }
0x28: {  	s2 =	sld [smem:$0x3FAC]  }
0x29: {  	s4 =	sld [smem:$0x3FAE]  }
0x2a: {  	p0 =	seq.s32 s5, $0x0;
	s5 =	sld [smem:$0x3FAF]  }
0x2b: {  	s6 =	sld [smem:$0x3FB0]  }
0x2c: {  	s7 =	sld [smem:$0x3FB1]  }
0x2d: {  	s3 =	simm.s32 $0x108;
	s8 =	sld [smem:$0x3FB2]  }
0x2e: {  	s3 =	simm.s32 @!p0 $0x1082;
	s9 =	sld [smem:$0x3FB3]  }
0x2f: {  	lr =	sadd.s32 s0, s3;
	s0 =	sld [smem:$0x3FAA]  }
0x30: {  	s3 =	sld [smem:$0x3FAD]  }
0x31: {  	[smem:$0x3FB6] =	sst s10  }
0x32: {  	s10 =	sld [smem:$0x3FB4];
	_ =	sdelay $0x3  }
0x33: {  	p0 =	seq.s32 s10, $0x1;
	s10 =	sld [smem:$0x3FB6];
	_ =	sdelay $0x3  }
0x34: {  	[smem:$0x3FB6] =	sst s10  }
0x35: {  	s10 =	sld [smem:$0x3FB5];
	_ =	sdelay $0x3  }
0x36: {  	p1 =	seq.s32 s10, $0x1;
	s10 =	sld [smem:$0x3FB6];
	_ =	sdelay $0x3  }
0x37: {  	[smem:$0x3FB6] =	sst s10  }
0x38: {  	s10 =	sld [smem:$0x3FB7]  }
0x39: {  	_ = 	snop;
	(pc) =	sbr.ind lr, $3  }
0x3a: {  	_ = 	snop  }
0x3b: {  	_ = 	snop  }
0x3c: {  	p2 =	seq.s32 s10, $0x1;
	s10 =	sld [smem:$0x3FB6]  }
0x3d: {  	_ =	shalt  }
0x3e: {  	_ =	shalt  }
0x3f: {  	_ =	shalt  }
0x40: {  	_ =	shalt  }
0x41: {  	_ =	shalt  }
0x42: {  	_ =	shalt  }
0x43: {  	_ =	shalt  }
0x44: {  	_ =	shalt  }
0x45: {  	_ =	shalt  }
0x46: {  	_ =	shalt  }
0x47: {  	_ =	shalt  }
0x48: {  	_ =	shalt  }
0x49: {  	_ =	shalt  }
0x4a: {  	_ =	shalt  }
0x4b: {  	_ =	shalt  }
0x4c: {  	_ =	shalt  }
0x4d: {  	_ =	shalt  }
0x4e: {  	_ =	shalt  }
0x4f: {  	_ =	shalt  }
0x50: {  	_ =	shalt  }
0x51: {  	_ =	shalt  }
0x52: {  	_ =	shalt  }
0x53: {  	_ =	shalt  }
0x54: {  	_ =	shalt  }
0x55: {  	_ =	shalt  }
0x56: {  	_ =	shalt  }
0x57: {  	_ =	shalt  }
0x58: {  	_ =	shalt  }
0x59: {  	_ =	shalt  }
0x5a: {  	_ =	shalt  }
0x5b: {  	_ =	shalt  }
0x5c: {  	_ =	shalt  }
0x5d: {  	_ =	shalt  }
0x5e: {  	_ =	shalt  }
0x5f: {  	_ =	shalt  }
0x60: {  	_ =	shalt  }
0x61: {  	_ =	shalt  }
0x62: {  	_ =	shalt  }
0x63: {  	_ =	shalt  }
0x64: {  	_ =	shalt  }
0x65: {  	_ =	shalt  }
0x66: {  	_ =	shalt  }
0x67: {  	_ =	shalt  }
0x68: {  	_ =	shalt  }
0x69: {  	_ =	shalt  }
0x6a: {  	_ =	shalt  }
0x6b: {  	_ =	shalt  }
0x6c: {  	_ =	shalt  }
0x6d: {  	_ =	shalt  }
0x6e: {  	_ =	shalt  }
0x6f: {  	_ =	shalt  }
0x70: {  	_ =	shalt  }
0x71: {  	_ =	shalt  }
0x72: {  	_ =	shalt  }
0x73: {  	_ =	shalt  }
0x74: {  	_ =	shalt  }
0x75: {  	_ =	shalt  }
0x76: {  	_ =	shalt  }
0x77: {  	_ =	shalt  }
0x78: {  	_ =	shalt  }
0x79: {  	_ =	shalt  }
0x7a: {  	_ =	shalt  }
0x7b: {  	_ =	shalt  }
0x7c: {  	_ =	shalt  }
0x7d: {  	_ =	shalt  }
0x7e: {  	_ =	shalt  }
0x7f: {  	_ =	shalt  }
0x80: {  	_ =	shalt  }
0x81: {  	_ =	shalt  }
0x82: {  	_ =	shalt  }
0x83: {  	_ =	shalt  }
0x84: {  	_ =	shalt  }
0x85: {  	_ =	shalt  }
0x86: {  	_ =	shalt  }
0x87: {  	_ =	shalt  }
.Lfunc_end0:
.L_simem_size_0:
called_computation_lowered:
.L_overlay_start_0:
0x88: {  	s2 =	sld [smem:$0x3FD9]  }
0x89: {  	s3 =	sld [smem:$0x3FFE];
	_ =	sdelay $0x1  }
0x8a: {  	s1 =	srdreg.scid  }
0x8b: {  	s0 =	sand.u32 $0x1, s1  }
0x8c: {  	s17 =	sshll.u32 s0, $0xA;
	s2 =	sadd.s32 s3, s2  }
0x8d: {  	s2 =	sadd.s32 s2, s17  }
0x8e: {  	[smem:$0x3FC2] =	sst s2  }
0x8f: {  	_ = 	snop  }
0x90: {  	s2 =	sld [smem:$0x3FC8]  }
0x91: {  	s18 =	sld [smem:$0x3FC6]  }
0x92: {  	s4 =	sld [smem:$0x3FC4];
	(tm) =	ssettm $0x1  }
0x93: {  	s5 =	sld [smem:$0x3FFB];
	_ =	sdelay $0x3  }
0x94: {  	_ =	strace s5  }
0x95: {  	s5 =	sld [smem:$0x3FFC];
	_ =	sdelay $0x3  }
0x96: {  	_ =	strace s5  }
0x97: {  	s5 =	sld [smem:$0x3FFD];
	_ =	sdelay $0x3  }
0x98: {  	_ =	strace s5  }
0x99: {  	_ =	strace $0x8FFFFFFF  }
0x9a: {  	s19 =	sld [smem:$0x3FDB];
	_ =	sdelay $0x1  }
0x9b: {  	s6 =	simm.s32 $_scs_section_size  }
0x9c: {  	s7 =	simm.s32 $_size__tile_overlayer_lowered;
	s8 =	simm.s32 $_tile_overlayer_lowered  }
0x9d: {  	s22 =	simm.s32 $0x1BFF;
	s21 =	sshll.u32 s8, $0x1;
	s5 =	sadd.s32 s6, s19  }
0x9e: {  	s9 =	simm.s32 $0x0;
	s20 =	sshll.u32 s7, $0x1;
	s7 =	sadd.s32 s21, s5  }
0x9f: {  	[timem:s9], [sflag:s22] =	dma.local [hbm:s7], s20  }
0xa0: {  	_ =	swait.ge [sflag:s22], s20  }
0xa1: {  	s6 =	ssub.s32 $0x0, s20;
	[sflag:s22] =	ssyncset.done $0x0  }
0xa2: {  	[sflag:s22] =	ssyncadd.s32 s6;
	_ =	sdelay $0x1  }
0xa3: {  	s23 =	simm.s32 $0x1B8B  }
0xa4: {  	_ =	swait.ge [sflag:s23], $0x1  }
0xa5: {  	[sflag:s23] =	ssyncset.done $0x0  }
0xa6: {  	s25 =	simm.s32 $0x1B8E;
	s24 =	sld [smem:$0x3FFE];
	[sflag:s23] =	ssyncadd.s32 $0xFFFFFFFF  }
0xa7: {  	s26 =	simm.s32 $execute0_lowered;
	[smem:$0x3FD2] =	sst s25  }
0xa8: {  	s7 =	sshll.u32 s26, $0x1;
	_ =	strace $0x80000046;
	[dreg:$0x1] =	wrdreg $0xFFFFFFFF  }
0xa9: {  	s28 =	simm.s32 $_size_execute0_lowered;
	s5 =	sadd.s32 s5, s7;
	[dreg:$0x0] =	wrdreg $0x0  }
0xaa: {  	s7 =	sshll.u32 s28, $0x1;
	[dreg:$0x2] =	wrdreg s5  }
0xab: {  	[dreg:$0x3] =	wrdreg s7  }
0xac: {  	[dreg:$0x4] =	wrdreg $0xC0  }
0xad: {  	_ =	task [dreg:s9], $0x5FFFF  }
0xae: {  	[dreg:$0x1] =	wrdreg $0xFFFFFFFF  }
0xaf: {  	[dreg:$0x0] =	wrdreg $0x60  }
0xb0: {  	[dreg:$0x2] =	wrdreg s2  }
0xb1: {  	[dreg:$0x3] =	wrdreg s18  }
0xb2: {  	[dreg:$0x4] =	wrdreg s24  }
0xb3: {  	[dreg:$0x5] =	wrdreg s4  }
0xb4: {  	[dreg:$0x6] =	wrdreg $0x9  }
0xb5: {  	_ =	task.clear_ibuf [dreg:s9], $0x7FFFF;
	_ =	strace $0x90000046  }
0xb6: {  	s29 =	simm.s32 $0x9;
	_ =	strace $0x80000048  }
0xb7: {  	_ =	swait.ge [sflag:s29], $0x1  }
0xb8: {  	[sflag:s29] =	ssyncadd.s32 $0xFFFFFFFF  }
0xb9: {  	_ =	strace $0x90000048  }
0xba: {  	_ =	sfence  }
0xbb: {  	s30 =	sld [smem:$0x0];
	_ =	sdelay $0x2  }
0xbc: {  	s31 =	sshll.u32 s1, $0xD;
	s1 =	sshrl.u32 s1, $0x2  }
0xbd: {  	s3 =	sand.u32 $0x4000, s31;
	s1 =	sadd.s32 s1, s30  }
0xbe: {  	s0 =	sor.u32 s3, s0;
	s1 =	sshll.u32 s1, $0x11  }
0xbf: {  	s0 =	sor.u32 s1, s0  }
0xc0: {  	s0 =	sadd.s32 $0x8F2B, s0  }
0xc1: {  	[sflag:s0] =	ssyncadd.remote.s32 $0x1  }
0xc2: {  	_ =	sfence.sel $0xFFFF  }
0xc3: {  	[dreg:$0x0] =	wrdreg $0xFFFFFFFF;
	(pc) =	sbr.abs _section_cstart, $3  }
0xc4: {  	[dreg:$0x1] =	wrdreg $0xFFFFFFFF  }
0xc5: {  	_ =	task.clear_ibuf [dreg:s9], $0x2FFFF;
	_ =	strace $0x9FFFFFFF  }
0xc6: {  	(tm) =	ssettm $0x7FFFFFFF  }
0xc7: {  	_ =	shalt  }
tec
execute0_lowered:
.L_overlay_start_1:
0x0: {  	(tag) =	ssettag $0x1  }
0x1: {  	s1 =	rddreg [dreg:$0x0]  }
0x2: {  	s5 =	rddreg [dreg:$0x1]  }
0x3: {  	s6 =	rddreg [dreg:$0x2]  }
0x4: {  	s3 =	rddreg [dreg:$0x3]  }
0x5: {  	s0 =	rddreg [dreg:$0x4]  }
0x6: {  	s7 =	srdreg.scid;
	s2 =	stileid.u32;
	s4 =	simm.s32 $0x0  }
0x7: {  	s13 =	simm.s32 $0x6000;
	s14 =	simm.s32 $0x2000;
	s15 =	simm.s32 $0x1  }
0x8: {  	s16 =	simm.s32 $0x6800;
	s17 =	simm.s32 $0x0;
	s7 =	sand.u32 $0x1, s7  }
0x9: {  	s8 =	sshll.u32 s2, $0x1;
	[smem:$0x7FF] =	sst s4;
	s11 =	sshll.u32 s2, $0xB  }
0xa: {  	s8 =	sor.u32 s7, s8;
	_ =	strace $0x80000047;
	s7 =	ssub.s32 $0x2, s7  }
0xb: {  	s11 =	sand.u32 $0x6000, s11;
	s9 =	sshll.u32 s8, $0xA;
	s10 =	sshll.u32 s8, $0x6  }
0xc: {  	s8 =	sshll.u32 s8, $0x4;
	s12 =	sshrl.u32 s7, $0x1;
	s5 =	sadd.s32 s5, s11  }
0xd: {  	s11 =	simm.s32 $0x2;
	s9 =	sadd.s32 s9, s6;
	s8 =	sand.u32 $0x70, s8  }
0xe: {  	s10 =	sadd.s32 s10, s6;
	s31 =	ssub.s32 s7, s12;
	s12 =	simm.s32 $0x4000  }
0xf: {  	s5 =	sadd.s32 s8, s5;
	s6 =	sadd.s32 $0x800, s9;
	s7 =	sadd.s32 $0x8800, s10  }
0x10: {  	s8 =	smax.u32 s31, $0x1;
	s9 =	simm.s32 $0x80;
	s10 =	simm.s32 $0x400  }
.LBB2_1:
0x11: {  	[tilespmem:s4], [sflag:$0x2] =	stream.strided.gather [hbm4b:s5+s9], $0x2000, s10, s9, $0x38;
	[tilespmem:$0x6A00] =	vst v63  }
0x12: {  	_ =	swait.ge [sflag:s11], $0x2000  }
0x13: {  	[sflag:s11] =	ssyncset.done $0x0  }
0x14: {  	[sflag:s11] =	ssyncadd.s32 $0xFFFFE000  }
0x15: {  	[tilespmem:s12], [sflag:$0x2] =	stream.linear.gather [hbm4b:s6+s4], $0x2000, $0x38;
	[tilespmem:$0x6A00] =	vst v63  }
0x16: {  	_ =	swait.ge [sflag:s11], $0x2000  }
0x17: {  	[sflag:s11] =	ssyncset.done $0x0  }
0x18: {  	[sflag:s11] =	ssyncadd.s32 $0xFFFFE000  }
0x19: {  	[tilespmem:s13], [sflag:$0x2] =	stream.linear.gather [hbm4b:s3+s4], $0x680, $0x38;
	[tilespmem:$0x6A00] =	vst v63  }
0x1a: {  	_ =	swait.ge [sflag:s11], $0x680  }
0x1b: {  	[sflag:s11] =	ssyncset.done $0x0  }
0x1c: {  	s18 =	sand.u32 $0x1F0, s4;
	[sflag:s11] =	ssyncadd.s32 $0xFFFFF980  }
0x1d: {  	v0 =	vld [tilespmem:s18+$0x200]  }
0x1e: {  	v1 =	vld [tilespmem:s18+$0x400]  }
0x1f: {  	v2 =	vld [tilespmem:s18+$0x600]  }
0x20: {  	v3 =	vld [tilespmem:s18+$0x800]  }
0x21: {  	v4 =	vld [tilespmem:s18+$0xA00]  }
0x22: {  	v5 =	vld [tilespmem:s18+$0xC00];
	v0 =	vadd.s32 $0xF4240, v0  }
0x23: {  	v6 =	vld [tilespmem:s18+$0xE00];
	[tilespmem:s18+$0x200] =	vst v0;
	v0 =	vadd.s32 $0x1E8480, v1  }
0x24: {  	v7 =	vld [tilespmem:s18+$0x1000];
	[tilespmem:s18+$0x400] =	vst v0;
	v0 =	vadd.s32 $0x2DC6C0, v2  }
0x25: {  	v8 =	vld [tilespmem:s18+$0x1200];
	[tilespmem:s18+$0x600] =	vst v0;
	v0 =	vadd.s32 $0x3D0900, v3  }
0x26: {  	v1 =	vld [tilespmem:s18+$0x1400];
	[tilespmem:s18+$0x800] =	vst v0;
	v0 =	vadd.s32 $0x4C4B40, v4  }
0x27: {  	v2 =	vadd.s32 $0x5B8D80, v5;
	[tilespmem:s18+$0xA00] =	vst v0;
	v0 =	vld [tilespmem:s18+$0x1600]  }
0x28: {  	[tilespmem:s18+$0xC00] =	vst v2;
	v3 =	vadd.s32 $0x6ACFC0, v6;
	v2 =	vld [tilespmem:s18+$0x1800]  }
0x29: {  	[tilespmem:s18+$0xE00] =	vst v3;
	v4 =	vadd.s32 $0x7A1200, v7;
	v3 =	vld [tilespmem:s18+$0x1A00]  }
0x2a: {  	s19 =	simm.s32 $0x10;
	v5 =	vadd.s32 $0x895440, v8;
	[tilespmem:s18+$0x1000] =	vst v4;
	v4 =	vld [tilespmem:s18+$0x1C00]  }
.LBB2_2:
0x2b: {  	s20 =	sand.u32 $0x1F0, s19;
	p0 =	sne.s32 s19, $0x1F0;
	[tilespmem:s18+$0x1200] =	vst v5;
	v1 =	vadd.s32 $0x989680, v1;
	v5 =	vld [tilespmem:s18+$0x1E00]  }
0x2c: {  	v6 =	vld [tilespmem:s20+$0x200];
	[tilespmem:s18+$0x1400] =	vst v1;
	v0 =	vadd.s32 $0xA7D8C0, v0  }
0x2d: {  	v1 =	vld [tilespmem:s20+$0x400];
	[tilespmem:s18+$0x1600] =	vst v0;
	v0 =	vadd.s32 $0xB71B00, v2  }
0x2e: {  	v2 =	vld [tilespmem:s20+$0x600];
	[tilespmem:s18+$0x1800] =	vst v0;
	v0 =	vadd.s32 $0xC65D40, v3  }
0x2f: {  	v3 =	vld [tilespmem:s20+$0x800];
	[tilespmem:s18+$0x1A00] =	vst v0;
	v0 =	vadd.s32 $0xD59F80, v4  }
0x30: {  	v4 =	vld [tilespmem:s20+$0xA00];
	[tilespmem:s18+$0x1C00] =	vst v0;
	v0 =	vadd.s32 $0xE4E1C0, v5  }
0x31: {  	v5 =	vadd.s32 $0xF4240, v6;
	v6 =	vld [tilespmem:s20+$0xC00];
	[tilespmem:s18+$0x1E00] =	vst v0;
	s18 =	smov.u32 s20  }
0x32: {  	[tilespmem:s18+$0x200] =	vst v5;
	v0 =	vadd.s32 $0x1E8480, v1;
	v5 =	vld [tilespmem:s18+$0xE00]  }
0x33: {  	[tilespmem:s18+$0x400] =	vst v0;
	v0 =	vadd.s32 $0x2DC6C0, v2;
	v7 =	vld [tilespmem:s18+$0x1000]  }
0x34: {  	[tilespmem:s18+$0x600] =	vst v0;
	v0 =	vadd.s32 $0x3D0900, v3;
	v8 =	vld [tilespmem:s18+$0x1200]  }
.Ltmp0:
0x35: {  	[tilespmem:s18+$0x800] =	vst v0;
	v0 =	vadd.s32 $0x4C4B40, v4;
	v1 =	vld [tilespmem:s18+$0x1400];
	(pc) =	sbr.rel @p0 .LBB2_2-.Ltmp0, $4  }
0x36: {  	[tilespmem:s18+$0xA00] =	vst v0;
	v2 =	vadd.s32 $0x5B8D80, v6;
	v0 =	vld [tilespmem:s18+$0x1600]  }
0x37: {  	[tilespmem:s18+$0xC00] =	vst v2;
	v3 =	vadd.s32 $0x6ACFC0, v5;
	v2 =	vld [tilespmem:s18+$0x1800]  }
0x38: {  	[tilespmem:s18+$0xE00] =	vst v3;
	v4 =	vadd.s32 $0x7A1200, v7;
	v3 =	vld [tilespmem:s18+$0x1A00]  }
0x39: {  	s19 =	sadd.s32 $0x10, s19;
	[tilespmem:s18+$0x1000] =	vst v4;
	v5 =	vadd.s32 $0x895440, v8;
	v4 =	vld [tilespmem:s18+$0x1C00]  }
0x3a: {  	[tilespmem:s18+$0x1200] =	vst v5;
	v1 =	vadd.s32 $0x989680, v1;
	v5 =	vld [tilespmem:s18+$0x1E00]  }
0x3b: {  	[tilespmem:s18+$0x1400] =	vst v1;
	v0 =	vadd.s32 $0xA7D8C0, v0  }
0x3c: {  	[tilespmem:s18+$0x1600] =	vst v0;
	v0 =	vadd.s32 $0xB71B00, v2  }
0x3d: {  	[tilespmem:s18+$0x1800] =	vst v0;
	v0 =	vadd.s32 $0xC65D40, v3  }
0x3e: {  	[tilespmem:s18+$0x1A00] =	vst v0;
	v0 =	vadd.s32 $0xD59F80, v4  }
0x3f: {  	[tilespmem:s18+$0x1C00] =	vst v0;
	v0 =	vadd.s32 $0xE4E1C0, v5  }
0x40: {  	s30 =	simm.s32 $0x0;
	[tilespmem:s18+$0x1E00] =	vst v0  }
0x41: {  	[tilespmem:s14], [sflag:$0x1] =	stream.indirect.gather [hbm4b:s1+s14], $0x1, s30, s14, $0xb8;
	[tilespmem:$0x6A00] =	vst v63  }
0x42: {  	s19 =	sand.u32 $0x70, s30;
	s18 =	sand.u32 $0xC00, s30;
	v0 =	vld [tilespmem:$0x6000]  }
0x43: {  	s18 =	sor.u32 s19, s18;
	v2 =	vld [tilespmem:$0x6080]  }
0x44: {  	v4 =	vld [tilespmem:s18+$0x4000]  }
0x45: {  	v6 =	vld [tilespmem:s18+$0x4080]  }
0x46: {  	v5 =	vld [tilespmem:$0x6100]  }
0x47: {  	v7 =	vld [tilespmem:s18+$0x4100]  }
0x48: {  	v3 =	vld [tilespmem:$0x6180]  }
0x49: {  	v8 =	vld [tilespmem:s18+$0x4180]  }
0x4a: {  	v1 =	vld [tilespmem:$0x6200];
	v9 =	vmul.f32 v4, v0;
	v6 =	vmul.f32 v6, v2  }
0x4b: {  	v10 =	vld [tilespmem:s18+$0x4200]  }
0x4c: {  	v11 =	vld [tilespmem:s18+$0x4280];
	v7 =	vmul.f32 v7, v5;
	v9 =	vadd.f32 v6, v9  }
0x4d: {  	v4 =	vld [tilespmem:$0x6280]  }
0x4e: {  	v12 =	vld [tilespmem:s18+$0x4300];
	v8 =	vmul.f32 v8, v3;
	v9 =	vadd.f32 v7, v9  }
0x4f: {  	v6 =	vld [tilespmem:$0x6300]  }
0x50: {  	v13 =	vld [tilespmem:s18+$0x4380];
	v10 =	vmul.f32 v10, v1;
	v9 =	vadd.f32 v8, v9  }
0x51: {  	v7 =	vld [tilespmem:$0x6380]  }
0x52: {  	v14 =	vld [tilespmem:s18+$0x5000];
	v11 =	vmul.f32 v11, v4;
	v10 =	vadd.f32 v10, v9  }
0x53: {  	v8 =	vld [tilespmem:$0x6400]  }
0x54: {  	v15 =	vld [tilespmem:s18+$0x5080];
	v12 =	vmul.f32 v12, v6;
	v11 =	vadd.f32 v11, v10  }
0x55: {  	v9 =	vld [tilespmem:$0x6480]  }
0x56: {  	v16 =	vld [tilespmem:s18+$0x5100];
	v13 =	vmul.f32 v13, v7;
	v12 =	vadd.f32 v12, v11  }
0x57: {  	v10 =	vld [tilespmem:$0x6500]  }
0x58: {  	v17 =	vld [tilespmem:s18+$0x5180];
	v14 =	vmul.f32 v14, v8;
	v13 =	vadd.f32 v13, v12  }
0x59: {  	v11 =	vld [tilespmem:$0x6580]  }
0x5a: {  	v12 =	vld [tilespmem:$0x6600];
	v13 =	vadd.f32 v14, v13;
	v14 =	vmul.f32 v15, v9  }
0x5b: {  	v15 =	vld [tilespmem:s18+$0x5200]  }
0x5c: {  	v13 =	vadd.f32 v14, v13;
	v14 =	vmul.f32 v16, v10;
	_ =	sdelay $0x1  }
0x5d: {  	v13 =	vadd.f32 v14, v13;
	v14 =	vmul.f32 v17, v11;
	_ =	sdelay $0x1  }
0x5e: {  	v13 =	vadd.f32 v14, v13;
	v14 =	vmul.f32 v15, v12;
	_ =	sdelay $0x1  }
0x5f: {  	s31 =	simm.s32 $0x10;
	s20 =	simm.s32 $0x80;
	v13 =	vadd.f32 v14, v13  }
0x60: {  	s21 =	sand.u32 $0xC00, s20;
	s19 =	sand.u32 $0x70, s31;
	s18 =	simm.s32 $0x6800  }
0x61: {  	s19 =	sor.u32 s19, s21;
	s21 =	simm.s32 $0x20;
	[tilespmem:s18+$0x0] =	vst v13  }
.LBB2_4:
0x62: {  	p0 =	sne.s32 s21, $0x1F0;
	v13 =	vld [tilespmem:s19+$0x4000]  }
0x63: {  	v14 =	vld [tilespmem:s19+$0x4080];
	_ =	sdelay $0x1  }
0x64: {  	v15 =	vld [tilespmem:s19+$0x4100];
	_ =	sdelay $0x1  }
0x65: {  	v16 =	vld [tilespmem:s19+$0x4180]  }
0x66: {  	v13 =	vmul.f32 v13, v0;
	v14 =	vmul.f32 v14, v2  }
0x67: {  	v17 =	vld [tilespmem:s19+$0x4200]  }
0x68: {  	v13 =	vadd.f32 v14, v13;
	v14 =	vmul.f32 v15, v5  }
0x69: {  	v15 =	vld [tilespmem:s19+$0x4280]  }
0x6a: {  	v13 =	vadd.f32 v14, v13;
	v14 =	vmul.f32 v16, v3  }
0x6b: {  	v16 =	vld [tilespmem:s19+$0x4300]  }
0x6c: {  	v13 =	vadd.f32 v14, v13;
	v14 =	vmul.f32 v17, v1  }
0x6d: {  	v17 =	vld [tilespmem:s19+$0x4380]  }
0x6e: {  	v13 =	vadd.f32 v14, v13;
	v14 =	vmul.f32 v15, v4  }
0x6f: {  	v15 =	vld [tilespmem:s19+$0x5000]  }
0x70: {  	v13 =	vadd.f32 v14, v13;
	v14 =	vmul.f32 v16, v6  }
0x71: {  	v16 =	vld [tilespmem:s19+$0x5080]  }
0x72: {  	v13 =	vadd.f32 v14, v13;
	v14 =	vmul.f32 v17, v7  }
0x73: {  	v17 =	vld [tilespmem:s19+$0x5100]  }
0x74: {  	v13 =	vadd.f32 v14, v13;
	v14 =	vmul.f32 v15, v8  }
0x75: {  	v15 =	vld [tilespmem:s19+$0x5180]  }
0x76: {  	v13 =	vadd.f32 v14, v13;
	v14 =	vmul.f32 v16, v9  }
0x77: {  	v16 =	vld [tilespmem:s19+$0x5200]  }
0x78: {  	v13 =	vadd.f32 v14, v13;
	v14 =	vmul.f32 v17, v10;
	_ =	sdelay $0x1  }
0x79: {  	v13 =	vadd.f32 v14, v13;
	v14 =	vmul.f32 v15, v11;
	_ =	sdelay $0x1  }
.Ltmp1:
0x7a: {  	v13 =	vadd.f32 v14, v13;
	v14 =	vmul.f32 v16, v12;
	(pc) =	sbr.rel @p0 .LBB2_4-.Ltmp1, $4  }
0x7b: {  	_ = 	snop  }
0x7c: {  	s20 =	sadd.s32 $0x80, s20;
	v13 =	vadd.f32 v14, v13  }
0x7d: {  	s18 =	sadd.s32 $0x10, s18;
	s22 =	sand.u32 $0xC00, s20;
	s19 =	sand.u32 $0x70, s21  }
0x7e: {  	s21 =	sadd.s32 $0x10, s21;
	s19 =	sor.u32 s19, s22;
	[tilespmem:s18+$0x0] =	vst v13  }
0x7f: {  	v13 =	vld [tilespmem:s19+$0x4000]  }
0x80: {  	v14 =	vld [tilespmem:s19+$0x4080];
	_ =	sdelay $0x1  }
0x81: {  	v15 =	vld [tilespmem:s19+$0x4100];
	_ =	sdelay $0x1  }
0x82: {  	v16 =	vld [tilespmem:s19+$0x4180]  }
0x83: {  	v0 =	vmul.f32 v13, v0;
	v2 =	vmul.f32 v14, v2  }
0x84: {  	v60 =	vld [tilespmem:s19+$0x4200]  }
0x85: {  	v0 =	vadd.f32 v2, v0;
	v2 =	vmul.f32 v15, v5  }
0x86: {  	v61 =	vld [tilespmem:s19+$0x4280]  }
0x87: {  	v0 =	vadd.f32 v2, v0;
	v2 =	vmul.f32 v16, v3  }
0x88: {  	v3 =	vld [tilespmem:s19+$0x4300]  }
0x89: {  	v1 =	vmul.f32 v60, v1;
	v0 =	vadd.f32 v2, v0  }
0x8a: {  	v2 =	vld [tilespmem:s19+$0x4380]  }
0x8b: {  	v0 =	vadd.f32 v1, v0;
	v1 =	vmul.f32 v61, v4  }
0x8c: {  	v62 =	vld [tilespmem:s19+$0x5000]  }
0x8d: {  	v0 =	vadd.f32 v1, v0;
	v1 =	vmul.f32 v3, v6  }
0x8e: {  	v3 =	vld [tilespmem:s19+$0x5080]  }
0x8f: {  	v0 =	vadd.f32 v1, v0;
	v1 =	vmul.f32 v2, v7  }
0x90: {  	v2 =	vld [tilespmem:s19+$0x5100]  }
0x91: {  	v0 =	vadd.f32 v1, v0;
	v1 =	vmul.f32 v62, v8  }
0x92: {  	v63 =	vld [tilespmem:s19+$0x5180]  }
0x93: {  	v0 =	vadd.f32 v1, v0;
	v1 =	vmul.f32 v3, v9  }
0x94: {  	v3 =	vld [tilespmem:s19+$0x5200]  }
0x95: {  	v0 =	vadd.f32 v1, v0;
	v1 =	vmul.f32 v2, v10;
	_ =	sdelay $0x1  }
0x96: {  	v0 =	vadd.f32 v1, v0;
	v1 =	vmul.f32 v63, v11;
	_ =	sdelay $0x1  }
0x97: {  	v0 =	vadd.f32 v1, v0;
	v1 =	vmul.f32 v3, v12;
	_ =	sdelay $0x1  }
0x98: {  	v0 =	vadd.f32 v1, v0  }
0x99: {  	s18 =	sadd.s32 $0x10, s18  }
0x9a: {  	[tilespmem:s18+$0x0] =	vst v0  }
0x9b: {  	_ =	swait.ge [sflag:s15], $0x2000  }
0x9c: {  	[sflag:s15] =	ssyncset.done $0x0  }
0x9d: {  	s19 =	simm.s32 $0x2000;
	[sflag:s15] =	ssyncadd.s32 $0xFFFFE000  }
0x9e: {  	s18 =	simm.s32 $0x6800;
	v0 =	vld [tilespmem:s19+$0x0]  }
0x9f: {  	s20 =	simm.s32 $0x0;
	s21 =	simm.s32 $0x10;
	v1 =	vld [tilespmem:s18+$0x0]  }
.LBB2_6:
0xa0: {  	p0 =	sne.s32 s21, $0x1F0;
	s22 =	sand.u32 $0x1F0, s20;
	s20 =	smov.u32 s21  }
0xa1: {  	v2 =	vld [tilespmem:s22+$0x2200];
	_ =	sdelay $0x1  }
0xa2: {  	v3 =	vld [tilespmem:s22+$0x2400]  }
0xa3: {  	v0 =	vadd.f32 v0, v1  }
0xa4: {  	v1 =	vld [tilespmem:s22+$0x2600]  }
0xa5: {  	v0 =	vadd.f32 v2, v0  }
0xa6: {  	v2 =	vld [tilespmem:s22+$0x2800]  }
0xa7: {  	v0 =	vadd.f32 v3, v0  }
0xa8: {  	v3 =	vld [tilespmem:s22+$0x2A00]  }
0xa9: {  	v0 =	vadd.f32 v1, v0  }
0xaa: {  	v1 =	vld [tilespmem:s22+$0x2C00]  }
0xab: {  	v0 =	vadd.f32 v2, v0  }
0xac: {  	v2 =	vld [tilespmem:s22+$0x2E00]  }
0xad: {  	v0 =	vadd.f32 v3, v0  }
0xae: {  	v3 =	vld [tilespmem:s22+$0x3000]  }
0xaf: {  	v0 =	vadd.f32 v1, v0  }
0xb0: {  	v1 =	vld [tilespmem:s22+$0x3200]  }
0xb1: {  	v0 =	vadd.f32 v2, v0  }
0xb2: {  	v2 =	vld [tilespmem:s22+$0x3400]  }
0xb3: {  	v0 =	vadd.f32 v3, v0  }
0xb4: {  	v3 =	vld [tilespmem:s22+$0x3600]  }
0xb5: {  	v0 =	vadd.f32 v1, v0  }
0xb6: {  	v1 =	vld [tilespmem:s22+$0x3800]  }
0xb7: {  	v0 =	vadd.f32 v2, v0  }
0xb8: {  	v2 =	vld [tilespmem:s22+$0x3A00]  }
0xb9: {  	v0 =	vadd.f32 v3, v0  }
0xba: {  	v3 =	vld [tilespmem:s22+$0x3C00]  }
0xbb: {  	v0 =	vadd.f32 v1, v0  }
0xbc: {  	v1 =	vld [tilespmem:s22+$0x3E00]  }
0xbd: {  	v0 =	vadd.f32 v2, v0;
	_ =	sdelay $0x1  }
0xbe: {  	v0 =	vadd.f32 v3, v0;
	_ =	sdelay $0x1  }
.Ltmp2:
0xbf: {  	v0 =	vadd.f32 v1, v0;
	(pc) =	sbr.rel @p0 .LBB2_6-.Ltmp2, $4  }
0xc0: {  	_ = 	snop  }
0xc1: {  	s19 =	sadd.s32 $0x10, s19;
	[tilespmem:s18+$0x0] =	vst v0  }
0xc2: {  	s18 =	sadd.s32 $0x10, s18;
	v0 =	vld [tilespmem:s19+$0x0]  }
0xc3: {  	s21 =	sadd.s32 $0x10, s21;
	v1 =	vld [tilespmem:s18+$0x0]  }
0xc4: {  	s19 =	sand.u32 $0x1F0, s20  }
0xc5: {  	v2 =	vld [tilespmem:s19+$0x2200];
	_ =	sdelay $0x1  }
0xc6: {  	v3 =	vld [tilespmem:s19+$0x2400]  }
0xc7: {  	v0 =	vadd.f32 v0, v1  }
0xc8: {  	v51 =	vld [tilespmem:s19+$0x2600]  }
0xc9: {  	v0 =	vadd.f32 v2, v0  }
0xca: {  	v52 =	vld [tilespmem:s19+$0x2800]  }
0xcb: {  	v0 =	vadd.f32 v3, v0  }
0xcc: {  	v53 =	vld [tilespmem:s19+$0x2A00]  }
0xcd: {  	v0 =	vadd.f32 v51, v0  }
0xce: {  	v54 =	vld [tilespmem:s19+$0x2C00]  }
0xcf: {  	v0 =	vadd.f32 v52, v0  }
0xd0: {  	v55 =	vld [tilespmem:s19+$0x2E00]  }
0xd1: {  	v0 =	vadd.f32 v53, v0  }
0xd2: {  	v56 =	vld [tilespmem:s19+$0x3000]  }
0xd3: {  	v0 =	vadd.f32 v54, v0  }
0xd4: {  	v57 =	vld [tilespmem:s19+$0x3200]  }
0xd5: {  	v0 =	vadd.f32 v55, v0  }
0xd6: {  	v58 =	vld [tilespmem:s19+$0x3400]  }
0xd7: {  	v0 =	vadd.f32 v56, v0  }
0xd8: {  	v59 =	vld [tilespmem:s19+$0x3600]  }
0xd9: {  	v0 =	vadd.f32 v57, v0  }
0xda: {  	v60 =	vld [tilespmem:s19+$0x3800]  }
0xdb: {  	v0 =	vadd.f32 v58, v0  }
0xdc: {  	v61 =	vld [tilespmem:s19+$0x3A00]  }
0xdd: {  	v0 =	vadd.f32 v59, v0  }
0xde: {  	v62 =	vld [tilespmem:s19+$0x3C00]  }
0xdf: {  	v0 =	vadd.f32 v60, v0  }
0xe0: {  	v63 =	vld [tilespmem:s19+$0x3E00]  }
0xe1: {  	v0 =	vadd.f32 v61, v0;
	_ =	sdelay $0x1  }
0xe2: {  	v0 =	vadd.f32 v62, v0;
	_ =	sdelay $0x1  }
0xe3: {  	s17 =	sadd.s32 $0x1, s17;
	v0 =	vadd.f32 v63, v0  }
0xe4: {  	p0 =	sne.s32 s17, s8  }
.Ltmp3:
0xe5: {  	[tilespmem:s18+$0x0] =	vst v0;
	(pc) =	sbr.rel @p0 .LBB2_1-.Ltmp3, $4  }
0xe6: {  	[hbm4b:s7+s4] =	stream.linear.scatter [tilespmem:s16], [sflag:$0x2], $0x200, $0x38;
	[tilespmem:$0x6A00] =	vst v63  }
0xe7: {  	_ =	swait.ge [sflag:s11], $0x200  }
0xe8: {  	[sflag:s11] =	ssyncset.done $0x0  }
0xe9: {  	[sflag:s11] =	ssyncadd.s32 $0xFFFFFE00  }
0xea: {  	_ =	sfence.sel $0x180000  }
0xeb: {  	[bflag:$0x0] =	sbarrier.arrive $0xFFFF  }
0xec: {  	p0 =	sne.s32 s2, $0x0;
	_ =	strace $0x90000047  }
0xed: {  	s0 =	sadd.s32 @!p0 $0x100000, s0;
	[bflag:$0x2] =	sbarrier.arrive $0xFFFF  }
0xee: {  	[sflag:s0] =	ssyncadd.tile.s32 @!p0 $0x1;
	_ =	shalt  }
.Lfunc_end2:
_tile_overlayer_lowered:
.L_overlay_start_2:
0xef: {  	(tag) =	ssettag $0x2  }
0xf0: {  	s0 =	rddreg [dreg:$0x0];
	s2 =	stileid.u32  }
0xf1: {  	s1 =	rddreg [dreg:$0x1];
	p0 =	sne.s32 s2, $0x0  }
0xf2: {  	s3 =	rddreg [dreg:$0x2];
	[bflag:$0x3] =	sbarrier.arrive $0xFFFF;
	s2 =	simm.s32 @!p0 $0x1C02  }
0xf3: {  	[timem:s3], [sflag:s2] =	dma.local @!p0 [hbm:s0], s1  }
0xf4: {  	s0 =	simm.s32 @!p0 $0x2  }
0xf5: {  	_ =	swait.ge @!p0 [sflag:s0], s1  }
0xf6: {  	s1 =	ssub.s32 @!p0 $0x0, s1;
	[sflag:s0] =	ssyncset.done @!p0 $0x0  }
0xf7: {  	[sflag:s0] =	ssyncadd.s32 @!p0 s1  }
0xf8: {  	[bflag:$0x3] =	sbarrier.arrive $0xFFFF  }
0xf9: {  	_ =	shalt  }

// kernel: _run.7.cloned.1.call-start
scs
__scs_entry_jumppad:
0x0: {  	(pc) =	sbr.rel $0x88, $3  }
0x1: {  	(tag) =	ssettag $0x0;
	lr =	simm.s32 $0x1  }
0x2: {  	[smem:$0x3F9B] =	sst lr;
	_ =	strace $0xD0000000  }
0x3: {  	_ = 	snop  }
0x4: {  	_ = 	snop  }
0x5: {  	_ = 	snop  }
0x6: {  	_ = 	snop  }
0x7: {  	_ = 	snop  }
__scs_overlays_trampoline_lowered:
0x8: {  	[smem:$0x3FAA] =	sst s0  }
0x9: {  	[smem:$0x3FAB] =	sst s1  }
0xa: {  	[smem:$0x3FAC] =	sst s2  }
0xb: {  	[smem:$0x3FAD] =	sst s3  }
0xc: {  	[smem:$0x3FAE] =	sst s4  }
0xd: {  	[smem:$0x3FAF] =	sst s5  }
0xe: {  	[smem:$0x3FB0] =	sst s6  }
0xf: {  	[smem:$0x3FB1] =	sst s7  }
0x10: {  	[smem:$0x3FB2] =	sst s8  }
0x11: {  	[smem:$0x3FB3] =	sst s9;
	s0 =	simm.s32 @!p0 $0x0  }
0x12: {  	s1 =	sld [smem:$0x3F99];
	s0 =	simm.s32 @p0 $0x1  }
0x13: {  	[smem:$0x3FB4] =	sst s0;
	s0 =	simm.s32 @!p1 $0x0  }
0x14: {  	s2 =	sld [smem:$0x3F98];
	s0 =	simm.s32 @p1 $0x1  }
0x15: {  	[smem:$0x3FB5] =	sst s0;
	s0 =	simm.s32 @!p2 $0x0  }
0x16: {  	s3 =	sld [smem:$0x3FDB];
	s0 =	simm.s32 @p2 $0x1  }
0x17: {  	s4 =	simm.s32 $0x1BF5;
	[smem:$0x3FB7] =	sst s0  }
0x18: {  	s0 =	sld [smem:$0x3F9A];
	_ =	swait.ge [sflag:s4], $0x0  }
0x19: {  	s7 =	sld [smem:$0x3F9B]  }
0x1a: {  	s8 =	sadd.s32 $0xFFFFE003, lr  }
0x1b: {  	s9 =	sadd.s32 $0xFFFFFEF7, lr;
	s5 =	simm.s32 $0xFFFFFFFF;
	p2 =	slt.u32 s8, $0xFFFFF086  }
0x1c: {  	p1 =	slt.u32 s9, $0xF7A;
	s5 =	simm.s32 @!p2 $0x0  }
0x1d: {  	s5 =	simm.s32 @p1 $0x1;
	p0 =	seq.s32 s7, s2  }
0x1e: {  	s7 =	smul.u32 @!p0 $0xF7A, s2;
	p2 =	seq.s32 @!p0 s5, $0x0  }
0x1f: {  	s9 =	smul.u32 $0xF7A, s1;
	s8 =	simm.s32 @!p0 $0x1BF5;
	p2 =	por !p2, p0  }
0x20: {  	[sflag:s8] =	ssyncset.s32 @!p0 $0xFFFFF086;
	s6 =	sadd.s32 @!p0 s3, s7;
	s7 =	simm.s32 @!p0 $0x108  }
0x21: {  	s3 =	sadd.s32 s3, s9;
	s6 =	sadd.s32 @!p0 $0x88, s6;
	s7 =	simm.s32 @p2 $0x1082  }
0x22: {  	[simem:s7], [sflag:s8] =	dma.local @!p0 [hbm:s6], $0xF7A  }
0x23: {  	s9 =	sor.u32 $0xD0000000, s2;
	s6 =	simm.s32 $0x108;
	_ =	swait.ge @!p0 [sflag:s8], $0x0  }
0x24: {  	s3 =	sadd.s32 $0x88, s3;
	s6 =	simm.s32 @!p1 $0x1082;
	[sflag:s4] =	ssyncset.s32 $0xFFFFF086  }
0x25: {  	[simem:s6], [sflag:s4] =	dma.local [hbm:s3], $0xF7A  }
0x26: {  	[smem:$0x3F9B] =	sst s1;
	(tag) =	ssettag s2;
	_ =	strace s9  }
0x27: {  	s1 =	sld [smem:$0x3FAB]  }
0x28: {  	s2 =	sld [smem:$0x3FAC]  }
0x29: {  	s4 =	sld [smem:$0x3FAE]  }
0x2a: {  	p0 =	seq.s32 s5, $0x0;
	s5 =	sld [smem:$0x3FAF]  }
0x2b: {  	s6 =	sld [smem:$0x3FB0]  }
0x2c: {  	s7 =	sld [smem:$0x3FB1]  }
0x2d: {  	s3 =	simm.s32 $0x108;
	s8 =	sld [smem:$0x3FB2]  }
0x2e: {  	s3 =	simm.s32 @!p0 $0x1082;
	s9 =	sld [smem:$0x3FB3]  }
0x2f: {  	lr =	sadd.s32 s0, s3;
	s0 =	sld [smem:$0x3FAA]  }
0x30: {  	s3 =	sld [smem:$0x3FAD]  }
0x31: {  	[smem:$0x3FB6] =	sst s10  }
0x32: {  	s10 =	sld [smem:$0x3FB4];
	_ =	sdelay $0x3  }
0x33: {  	p0 =	seq.s32 s10, $0x1;
	s10 =	sld [smem:$0x3FB6];
	_ =	sdelay $0x3  }
0x34: {  	[smem:$0x3FB6] =	sst s10  }
0x35: {  	s10 =	sld [smem:$0x3FB5];
	_ =	sdelay $0x3  }
0x36: {  	p1 =	seq.s32 s10, $0x1;
	s10 =	sld [smem:$0x3FB6];
	_ =	sdelay $0x3  }
0x37: {  	[smem:$0x3FB6] =	sst s10  }
0x38: {  	s10 =	sld [smem:$0x3FB7]  }
0x39: {  	_ = 	snop;
	(pc) =	sbr.ind lr, $3  }
0x3a: {  	_ = 	snop  }
0x3b: {  	_ = 	snop  }
0x3c: {  	p2 =	seq.s32 s10, $0x1;
	s10 =	sld [smem:$0x3FB6]  }
0x3d: {  	_ =	shalt  }
0x3e: {  	_ =	shalt  }
0x3f: {  	_ =	shalt  }
0x40: {  	_ =	shalt  }
0x41: {  	_ =	shalt  }
0x42: {  	_ =	shalt  }
0x43: {  	_ =	shalt  }
0x44: {  	_ =	shalt  }
0x45: {  	_ =	shalt  }
0x46: {  	_ =	shalt  }
0x47: {  	_ =	shalt  }
0x48: {  	_ =	shalt  }
0x49: {  	_ =	shalt  }
0x4a: {  	_ =	shalt  }
0x4b: {  	_ =	shalt  }
0x4c: {  	_ =	shalt  }
0x4d: {  	_ =	shalt  }
0x4e: {  	_ =	shalt  }
0x4f: {  	_ =	shalt  }
0x50: {  	_ =	shalt  }
0x51: {  	_ =	shalt  }
0x52: {  	_ =	shalt  }
0x53: {  	_ =	shalt  }
0x54: {  	_ =	shalt  }
0x55: {  	_ =	shalt  }
0x56: {  	_ =	shalt  }
0x57: {  	_ =	shalt  }
0x58: {  	_ =	shalt  }
0x59: {  	_ =	shalt  }
0x5a: {  	_ =	shalt  }
0x5b: {  	_ =	shalt  }
0x5c: {  	_ =	shalt  }
0x5d: {  	_ =	shalt  }
0x5e: {  	_ =	shalt  }
0x5f: {  	_ =	shalt  }
0x60: {  	_ =	shalt  }
0x61: {  	_ =	shalt  }
0x62: {  	_ =	shalt  }
0x63: {  	_ =	shalt  }
0x64: {  	_ =	shalt  }
0x65: {  	_ =	shalt  }
0x66: {  	_ =	shalt  }
0x67: {  	_ =	shalt  }
0x68: {  	_ =	shalt  }
0x69: {  	_ =	shalt  }
0x6a: {  	_ =	shalt  }
0x6b: {  	_ =	shalt  }
0x6c: {  	_ =	shalt  }
0x6d: {  	_ =	shalt  }
0x6e: {  	_ =	shalt  }
0x6f: {  	_ =	shalt  }
0x70: {  	_ =	shalt  }
0x71: {  	_ =	shalt  }
0x72: {  	_ =	shalt  }
0x73: {  	_ =	shalt  }
0x74: {  	_ =	shalt  }
0x75: {  	_ =	shalt  }
0x76: {  	_ =	shalt  }
0x77: {  	_ =	shalt  }
0x78: {  	_ =	shalt  }
0x79: {  	_ =	shalt  }
0x7a: {  	_ =	shalt  }
0x7b: {  	_ =	shalt  }
0x7c: {  	_ =	shalt  }
0x7d: {  	_ =	shalt  }
0x7e: {  	_ =	shalt  }
0x7f: {  	_ =	shalt  }
0x80: {  	_ =	shalt  }
0x81: {  	_ =	shalt  }
0x82: {  	_ =	shalt  }
0x83: {  	_ =	shalt  }
0x84: {  	_ =	shalt  }
0x85: {  	_ =	shalt  }
0x86: {  	_ =	shalt  }
0x87: {  	_ =	shalt  }
.Lfunc_end0:
.L_simem_size_0:
called_computation.1_lowered:
.L_overlay_start_0:
0x88: {  	s2 =	sld [smem:$0x3FD9]  }
0x89: {  	s3 =	sld [smem:$0x3FFE];
	_ =	sdelay $0x1  }
0x8a: {  	s1 =	srdreg.scid  }
0x8b: {  	s0 =	sand.u32 $0x1, s1  }
0x8c: {  	s17 =	sshll.u32 s0, $0xA;
	s2 =	sadd.s32 s3, s2  }
0x8d: {  	s2 =	sadd.s32 s2, s17  }
0x8e: {  	[smem:$0x3FC2] =	sst s2  }
0x8f: {  	_ = 	snop  }
0x90: {  	s2 =	sld [smem:$0x3FC9]  }
0x91: {  	s18 =	sld [smem:$0x3FC7]  }
0x92: {  	s4 =	sld [smem:$0x3FD0];
	(tm) =	ssettm $0x1  }
0x93: {  	s5 =	sld [smem:$0x3FFB];
	_ =	sdelay $0x3  }
0x94: {  	_ =	strace s5  }
0x95: {  	s5 =	sld [smem:$0x3FFC];
	_ =	sdelay $0x3  }
0x96: {  	_ =	strace s5  }
0x97: {  	s5 =	sld [smem:$0x3FFD];
	_ =	sdelay $0x3  }
0x98: {  	_ =	strace s5  }
0x99: {  	_ =	strace $0x8FFFFFFF  }
0x9a: {  	s19 =	sld [smem:$0x3FDB];
	_ =	sdelay $0x1  }
0x9b: {  	s6 =	simm.s32 $_scs_section_size  }
0x9c: {  	s7 =	simm.s32 $_size__tile_overlayer_lowered;
	s8 =	simm.s32 $_tile_overlayer_lowered  }
0x9d: {  	s22 =	simm.s32 $0x1BFF;
	s21 =	sshll.u32 s8, $0x1;
	s5 =	sadd.s32 s6, s19  }
0x9e: {  	s9 =	simm.s32 $0x0;
	s20 =	sshll.u32 s7, $0x1;
	s7 =	sadd.s32 s21, s5  }
0x9f: {  	[timem:s9], [sflag:s22] =	dma.local [hbm:s7], s20  }
0xa0: {  	_ =	swait.ge [sflag:s22], s20  }
0xa1: {  	s6 =	ssub.s32 $0x0, s20;
	[sflag:s22] =	ssyncset.done $0x0  }
0xa2: {  	[sflag:s22] =	ssyncadd.s32 s6;
	_ =	sdelay $0x1  }
0xa3: {  	s23 =	simm.s32 $0x1B8B  }
0xa4: {  	_ =	swait.ge [sflag:s23], $0x1  }
0xa5: {  	[sflag:s23] =	ssyncset.done $0x0  }
0xa6: {  	s25 =	simm.s32 $0x1B8E;
	s24 =	sld [smem:$0x3FFE];
	[sflag:s23] =	ssyncadd.s32 $0xFFFFFFFF  }
0xa7: {  	s26 =	simm.s32 $execute0_lowered;
	[smem:$0x3FD2] =	sst s25  }
0xa8: {  	s7 =	sshll.u32 s26, $0x1;
	_ =	strace $0x80000049;
	[dreg:$0x1] =	wrdreg $0xFFFFFFFF  }
0xa9: {  	s28 =	simm.s32 $_size_execute0_lowered;
	s5 =	sadd.s32 s5, s7;
	[dreg:$0x0] =	wrdreg $0x0  }
0xaa: {  	s7 =	sshll.u32 s28, $0x1;
	[dreg:$0x2] =	wrdreg s5  }
0xab: {  	[dreg:$0x3] =	wrdreg s7  }
0xac: {  	[dreg:$0x4] =	wrdreg $0xC0  }
0xad: {  	_ =	task [dreg:s9], $0x5FFFF  }
0xae: {  	[dreg:$0x1] =	wrdreg $0xFFFFFFFF  }
0xaf: {  	[dreg:$0x0] =	wrdreg $0x60  }
0xb0: {  	[dreg:$0x2] =	wrdreg s2  }
0xb1: {  	[dreg:$0x3] =	wrdreg s18  }
0xb2: {  	[dreg:$0x4] =	wrdreg s24  }
0xb3: {  	[dreg:$0x5] =	wrdreg s4  }
0xb4: {  	[dreg:$0x6] =	wrdreg $0x9  }
0xb5: {  	_ =	task.clear_ibuf [dreg:s9], $0x7FFFF;
	_ =	strace $0x90000049  }
0xb6: {  	s29 =	simm.s32 $0x9;
	_ =	strace $0x8000004B  }
0xb7: {  	_ =	swait.ge [sflag:s29], $0x1  }
0xb8: {  	[sflag:s29] =	ssyncadd.s32 $0xFFFFFFFF  }
0xb9: {  	_ =	strace $0x9000004B  }
0xba: {  	_ =	sfence  }
0xbb: {  	s30 =	sld [smem:$0x0];
	_ =	sdelay $0x2  }
0xbc: {  	s31 =	sshll.u32 s1, $0xD;
	s1 =	sshrl.u32 s1, $0x2  }
0xbd: {  	s3 =	sand.u32 $0x4000, s31;
	s1 =	sadd.s32 s1, s30  }
0xbe: {  	s0 =	sor.u32 s3, s0;
	s1 =	sshll.u32 s1, $0x11  }
0xbf: {  	s0 =	sor.u32 s1, s0  }
0xc0: {  	s0 =	sadd.s32 $0x8F2B, s0  }
0xc1: {  	[sflag:s0] =	ssyncadd.remote.s32 $0x1  }
0xc2: {  	_ =	sfence.sel $0xFFFF  }
0xc3: {  	[dreg:$0x0] =	wrdreg $0xFFFFFFFF;
	(pc) =	sbr.abs _section_cstart, $3  }
0xc4: {  	[dreg:$0x1] =	wrdreg $0xFFFFFFFF  }
0xc5: {  	_ =	task.clear_ibuf [dreg:s9], $0x2FFFF;
	_ =	strace $0x9FFFFFFF  }
0xc6: {  	(tm) =	ssettm $0x7FFFFFFF  }
0xc7: {  	_ =	shalt  }
tec
execute0_lowered:
.L_overlay_start_1:
0x0: {  	(tag) =	ssettag $0x1  }
0x1: {  	s1 =	rddreg [dreg:$0x0]  }
0x2: {  	s4 =	rddreg [dreg:$0x1]  }
0x3: {  	s5 =	rddreg [dreg:$0x2];
	s2 =	srdreg.scid  }
0x4: {  	s0 =	stileid.u32;
	s6 =	rddreg [dreg:$0x3];
	s11 =	simm.s32 $0x1  }
0x5: {  	s12 =	simm.s32 $0x2800;
	s13 =	simm.s32 $0x0;
	s7 =	sand.u32 $0x1, s2  }
0x6: {  	s3 =	sshll.u32 s0, $0x1;
	s2 =	rddreg [dreg:$0x4];
	s9 =	sshrl.u32 s0, $0x2  }
0x7: {  	s8 =	sor.u32 s7, s3;
	s3 =	simm.s32 $0x0;
	s9 =	smul.u32 $0xA000, s9  }
0x8: {  	s7 =	ssub.s32 $0x2, s7;
	s10 =	sshll.u32 s8, $0x7;
	[smem:$0x7FF] =	sst s3  }
0x9: {  	s8 =	sshll.u32 s8, $0x6;
	s31 =	sshrl.u32 s7, $0x1;
	s10 =	sand.u32 $0x380, s10  }
0xa: {  	_ =	strace $0x8000004A;
	s5 =	sadd.s32 s8, s5;
	s7 =	ssub.s32 s7, s31  }
0xb: {  	s6 =	sadd.s32 s6, s8;
	s8 =	simm.s32 $0x80;
	s9 =	sor.u32 s9, s10  }
0xc: {  	s5 =	sadd.s32 $0x8800, s5;
	s7 =	smax.u32 s7, $0x1;
	s9 =	sshrl.u32 s9, $0x3  }
0xd: {  	s10 =	simm.s32 $0x2;
	s4 =	sadd.s32 s4, s9;
	s9 =	simm.s32 $0x400  }
.LBB2_1:
0xe: {  	[tilespmem:s3], [sflag:$0x2] =	stream.strided.gather [hbm4b:s4+s8], $0x1400, s9, s8, $0x38;
	[tilespmem:$0x2A00] =	vst v63  }
0xf: {  	_ =	swait.ge [sflag:s10], $0x1400  }
0x10: {  	[sflag:s10] =	ssyncset.done $0x0  }
0x11: {  	s14 =	sand.u32 $0x1F0, s3;
	[sflag:s10] =	ssyncadd.s32 $0xFFFFEC00  }
0x12: {  	v1 =	vld [tilespmem:s14+$0x200]  }
0x13: {  	v3 =	vld [tilespmem:s14+$0x400]  }
0x14: {  	v4 =	vld [tilespmem:s14+$0x600]  }
0x15: {  	v2 =	vld [tilespmem:s14+$0x800]  }
0x16: {  	v0 =	vld [tilespmem:s14+$0xA00]  }
0x17: {  	v5 =	vadd.s32 $0xF4240, v1;
	v1 =	vld [tilespmem:s14+$0xC00]  }
0x18: {  	[tilespmem:s14+$0x200] =	vst v5;
	v5 =	vadd.s32 $0x1E8480, v3;
	v3 =	vld [tilespmem:s14+$0xE00]  }
0x19: {  	s15 =	simm.s32 $0x10;
	[tilespmem:s14+$0x400] =	vst v5;
	v5 =	vadd.s32 $0x2DC6C0, v4;
	v4 =	vld [tilespmem:s14+$0x1000]  }
.LBB2_2:
0x1a: {  	s16 =	sand.u32 $0x1F0, s15;
	p0 =	sne.s32 s15, $0x1F0;
	[tilespmem:s14+$0x600] =	vst v5;
	v2 =	vadd.s32 $0x3D0900, v2;
	v5 =	vld [tilespmem:s14+$0x1200]  }
0x1b: {  	v6 =	vld [tilespmem:s16+$0x200];
	[tilespmem:s14+$0x800] =	vst v2;
	v0 =	vadd.s32 $0x4C4B40, v0  }
0x1c: {  	v7 =	vld [tilespmem:s16+$0x400];
	[tilespmem:s14+$0xA00] =	vst v0;
	v0 =	vadd.s32 $0x5B8D80, v1  }
0x1d: {  	v8 =	vld [tilespmem:s16+$0x600];
	[tilespmem:s14+$0xC00] =	vst v0;
	v0 =	vadd.s32 $0x6ACFC0, v3  }
.Ltmp0:
0x1e: {  	v2 =	vld [tilespmem:s16+$0x800];
	[tilespmem:s14+$0xE00] =	vst v0;
	v1 =	vadd.s32 $0x7A1200, v4;
	(pc) =	sbr.rel @p0 .LBB2_2-.Ltmp0, $4  }
0x1f: {  	v0 =	vld [tilespmem:s16+$0xA00];
	[tilespmem:s14+$0x1000] =	vst v1;
	v3 =	vadd.s32 $0x895440, v5  }
0x20: {  	v4 =	vadd.s32 $0xF4240, v6;
	v1 =	vld [tilespmem:s16+$0xC00];
	[tilespmem:s14+$0x1200] =	vst v3;
	s14 =	smov.u32 s16  }
0x21: {  	[tilespmem:s14+$0x200] =	vst v4;
	v4 =	vadd.s32 $0x1E8480, v7;
	v3 =	vld [tilespmem:s14+$0xE00]  }
0x22: {  	s15 =	sadd.s32 $0x10, s15;
	[tilespmem:s14+$0x400] =	vst v4;
	v5 =	vadd.s32 $0x2DC6C0, v8;
	v4 =	vld [tilespmem:s14+$0x1000]  }
0x23: {  	[tilespmem:s14+$0x600] =	vst v5;
	v2 =	vadd.s32 $0x3D0900, v2;
	v63 =	vld [tilespmem:s14+$0x1200]  }
0x24: {  	[tilespmem:s14+$0x800] =	vst v2;
	v0 =	vadd.s32 $0x4C4B40, v0  }
0x25: {  	[tilespmem:s14+$0xA00] =	vst v0;
	v0 =	vadd.s32 $0x5B8D80, v1  }
0x26: {  	[tilespmem:s14+$0xC00] =	vst v0;
	v0 =	vadd.s32 $0x6ACFC0, v3  }
0x27: {  	[tilespmem:s14+$0xE00] =	vst v0;
	v0 =	vadd.s32 $0x7A1200, v4  }
0x28: {  	[tilespmem:s14+$0x1000] =	vst v0;
	v0 =	vadd.s32 $0x895440, v63  }
0x29: {  	s15 =	simm.s32 $0x0;
	s16 =	simm.s32 $0x1400;
	[tilespmem:s14+$0x1200] =	vst v0  }
0x2a: {  	[tilespmem:s16], [sflag:$0x1] =	stream.indirect.gather [hbm4b:s1+s16], $0x1, s15, s16, $0xb8;
	[tilespmem:$0x2A00] =	vst v63  }
0x2b: {  	s14 =	simm.s32 $0x2800  }
0x2c: {  	[tilespmem:s14], [sflag:$0x2] =	stream.linear.gather [hbm4b:s5+s15], $0x200, $0x38;
	[tilespmem:$0x2A00] =	vst v63  }
0x2d: {  	_ =	swait.ge [sflag:s10], $0x200  }
0x2e: {  	[sflag:s10] =	ssyncset.done $0x0  }
0x2f: {  	[sflag:s10] =	ssyncadd.s32 $0xFFFFFE00  }
0x30: {  	_ =	swait.ge [sflag:s11], $0x1400  }
0x31: {  	[sflag:s11] =	ssyncset.done $0x0  }
0x32: {  	[sflag:s11] =	ssyncadd.s32 $0xFFFFEC00  }
0x33: {  	v0 =	vld [tilespmem:s16+$0x0]  }
0x34: {  	s17 =	simm.s32 $0x10;
	v1 =	vld [tilespmem:s14+$0x0]  }
.LBB2_4:
0x35: {  	p0 =	sne.s32 s17, $0x1F0;
	s18 =	sand.u32 $0x1F0, s15;
	s15 =	smov.u32 s17  }
0x36: {  	v2 =	vld [tilespmem:s18+$0x1600];
	_ =	sdelay $0x1  }
0x37: {  	v3 =	vld [tilespmem:s18+$0x1800]  }
0x38: {  	v0 =	vadd.f32 v0, v1  }
0x39: {  	v1 =	vld [tilespmem:s18+$0x1A00]  }
0x3a: {  	v0 =	vadd.f32 v2, v0  }
0x3b: {  	v2 =	vld [tilespmem:s18+$0x1C00]  }
0x3c: {  	v0 =	vadd.f32 v3, v0  }
0x3d: {  	v3 =	vld [tilespmem:s18+$0x1E00]  }
0x3e: {  	v0 =	vadd.f32 v1, v0  }
0x3f: {  	v1 =	vld [tilespmem:s18+$0x2000]  }
0x40: {  	v0 =	vadd.f32 v2, v0  }
0x41: {  	v2 =	vld [tilespmem:s18+$0x2200]  }
0x42: {  	v0 =	vadd.f32 v3, v0  }
0x43: {  	v3 =	vld [tilespmem:s18+$0x2400]  }
0x44: {  	v0 =	vadd.f32 v1, v0  }
0x45: {  	v1 =	vld [tilespmem:s18+$0x2600]  }
0x46: {  	v0 =	vadd.f32 v2, v0;
	_ =	sdelay $0x1  }
0x47: {  	v0 =	vadd.f32 v3, v0;
	_ =	sdelay $0x1  }
.Ltmp1:
0x48: {  	v0 =	vadd.f32 v1, v0;
	(pc) =	sbr.rel @p0 .LBB2_4-.Ltmp1, $4  }
0x49: {  	_ = 	snop  }
0x4a: {  	s16 =	sadd.s32 $0x10, s16;
	[tilespmem:s14+$0x0] =	vst v0  }
0x4b: {  	s14 =	sadd.s32 $0x10, s14;
	v0 =	vld [tilespmem:s16+$0x0]  }
0x4c: {  	s17 =	sadd.s32 $0x10, s17;
	v1 =	vld [tilespmem:s14+$0x0]  }
0x4d: {  	s15 =	sand.u32 $0x1F0, s15  }
0x4e: {  	v2 =	vld [tilespmem:s15+$0x1600];
	_ =	sdelay $0x1  }
0x4f: {  	v3 =	vld [tilespmem:s15+$0x1800]  }
0x50: {  	v0 =	vadd.f32 v0, v1  }
0x51: {  	v57 =	vld [tilespmem:s15+$0x1A00]  }
0x52: {  	v0 =	vadd.f32 v2, v0  }
0x53: {  	v58 =	vld [tilespmem:s15+$0x1C00]  }
0x54: {  	v0 =	vadd.f32 v3, v0  }
0x55: {  	v59 =	vld [tilespmem:s15+$0x1E00]  }
0x56: {  	v0 =	vadd.f32 v57, v0  }
0x57: {  	v60 =	vld [tilespmem:s15+$0x2000]  }
0x58: {  	v0 =	vadd.f32 v58, v0  }
0x59: {  	v61 =	vld [tilespmem:s15+$0x2200]  }
0x5a: {  	v0 =	vadd.f32 v59, v0  }
0x5b: {  	v62 =	vld [tilespmem:s15+$0x2400]  }
0x5c: {  	v0 =	vadd.f32 v60, v0  }
0x5d: {  	v63 =	vld [tilespmem:s15+$0x2600]  }
0x5e: {  	v0 =	vadd.f32 v61, v0;
	_ =	sdelay $0x1  }
0x5f: {  	v0 =	vadd.f32 v62, v0;
	_ =	sdelay $0x1  }
0x60: {  	s13 =	sadd.s32 $0x1, s13;
	v0 =	vadd.f32 v63, v0  }
0x61: {  	p0 =	sne.s32 s13, s7  }
.Ltmp2:
0x62: {  	[tilespmem:s14+$0x0] =	vst v0;
	(pc) =	sbr.rel @p0 .LBB2_1-.Ltmp2, $4  }
0x63: {  	[hbm4b:s6+s3] =	stream.linear.scatter [tilespmem:s12], [sflag:$0x2], $0x200, $0x38;
	[tilespmem:$0x2A00] =	vst v63  }
0x64: {  	_ =	swait.ge [sflag:s10], $0x200  }
0x65: {  	[sflag:s10] =	ssyncset.done $0x0  }
0x66: {  	[sflag:s10] =	ssyncadd.s32 $0xFFFFFE00  }
0x67: {  	_ =	sfence.sel $0x180000  }
0x68: {  	[bflag:$0x0] =	sbarrier.arrive $0xFFFF  }
0x69: {  	p0 =	sne.s32 s0, $0x0;
	_ =	strace $0x9000004A  }
0x6a: {  	s0 =	sadd.s32 @!p0 $0x100000, s2;
	[bflag:$0x2] =	sbarrier.arrive $0xFFFF  }
0x6b: {  	[sflag:s0] =	ssyncadd.tile.s32 @!p0 $0x1;
	_ =	shalt  }
.Lfunc_end2:
_tile_overlayer_lowered:
.L_overlay_start_2:
0x6c: {  	(tag) =	ssettag $0x2  }
0x6d: {  	s0 =	rddreg [dreg:$0x0];
	s2 =	stileid.u32  }
0x6e: {  	s1 =	rddreg [dreg:$0x1];
	p0 =	sne.s32 s2, $0x0  }
0x6f: {  	s3 =	rddreg [dreg:$0x2];
	[bflag:$0x3] =	sbarrier.arrive $0xFFFF;
	s2 =	simm.s32 @!p0 $0x1C02  }
0x70: {  	[timem:s3], [sflag:s2] =	dma.local @!p0 [hbm:s0], s1  }
0x71: {  	s0 =	simm.s32 @!p0 $0x2  }
0x72: {  	_ =	swait.ge @!p0 [sflag:s0], s1  }
0x73: {  	s1 =	ssub.s32 @!p0 $0x0, s1;
	[sflag:s0] =	ssyncset.done @!p0 $0x0  }
0x74: {  	[sflag:s0] =	ssyncadd.s32 @!p0 s1  }
0x75: {  	[bflag:$0x3] =	sbarrier.arrive $0xFFFF  }
0x76: {  	_ =	shalt  }

</sc_bundles>
